<compile_context>
chip_gen: v7x
topology: tpu7x:2x2x1
jax: 0.10.2.dev20260603
libtpu: 0.0.44.dev20260713+nightly
codegen_flags: <defaults>
</compile_context>

<pallas_src>
import functools

import jax
import jax.numpy as jnp
from jax import lax
from jax.experimental import pallas as pl
from jax.experimental.pallas import tpu as pltpu
from jax.experimental.pallas import tpu_sc as plsc

N = 500000
SIZE = 16
COLS = 2 * SIZE
LANES = 16
NC = 2
NS = 16
NW = NC * NS

CHUNK_W = 1024
CHUNK_BLKS = CHUNK_W // LANES
UNROLL = 1
FULL_CHUNKS = N // CHUNK_W
TAIL_LO = FULL_CHUNKS * CHUNK_W
TAIL_W = N - TAIL_LO
TAIL_BLKS = TAIL_W // LANES
BASE_CHUNKS = FULL_CHUNKS // NW
EXTRA = FULL_CHUNKS % NW
MAX_PAIRS = (BASE_CHUNKS + 1 + 1) // 2


def _body(x_hbm, th_hbm, out_hbm, thb, xb0, xb1, ob0, ob1, xbt, obt,
          xsem0, xsem1, osem0, osem1):
    cid = lax.axis_index("c")
    sid = lax.axis_index("s")
    wid = sid * NC + cid
    c_lo = wid * BASE_CHUNKS + jnp.minimum(wid, EXTRA)
    n_my = BASE_CHUNKS + (wid < EXTRA).astype(jnp.int32)
    c_hi = c_lo + n_my

    pltpu.sync_copy(th_hbm, thb)
    thv = thb[pl.ds(0, LANES)]
    ths = [jnp.broadcast_to(thv[j], (LANES,)) for j in range(SIZE)]
    ones = jnp.full((LANES,), 1.0, jnp.float32)
    zeros = jnp.full((LANES,), 0.0, jnp.float32)

    def one_block(xb, ob, r0):
        xp = xb[pl.ds(r0, LANES)]
        xn = xb[pl.ds(r0 + 1, LANES)]
        for j in range(SIZE):
            a = xp <= ths[j]
            bn = xn <= ths[j]
            ob[2 * j, pl.ds(r0, LANES)] = jnp.where(a > bn, ones, zeros)
            ob[2 * j + 1, pl.ds(r0, LANES)] = jnp.where(bn > a, ones, zeros)

    def compute_tile(xb, ob, niter, unroll):
        def blk(b, carry):
            r0 = b * (LANES * unroll)
            for u in range(unroll):
                one_block(xb, ob, r0 + u * LANES)
            return carry

        lax.fori_loop(0, niter, blk, 0)

    pltpu.async_copy(x_hbm.at[pl.ds(c_lo * CHUNK_W, CHUNK_W + LANES)],
                     xb0, xsem0)
    pltpu.async_copy(x_hbm.at[pl.ds((c_lo + 1) * CHUNK_W, CHUNK_W + LANES)],
                     xb1, xsem1)

    def process(c, xb, ob, xsem, osem):
        pltpu.make_async_copy(
            x_hbm.at[pl.ds(0, CHUNK_W + LANES)], xb, xsem).wait()

        @pl.when(c >= c_lo + 2)
        def _():
            pltpu.make_async_copy(
                ob, out_hbm.at[:, pl.ds(0, CHUNK_W)], osem).wait()

        compute_tile(xb, ob, CHUNK_BLKS // UNROLL, UNROLL)

        pltpu.async_copy(ob, out_hbm.at[:, pl.ds(c * CHUNK_W, CHUNK_W)], osem)

        @pl.when(c + 2 < c_hi)
        def _():
            pltpu.async_copy(
                x_hbm.at[pl.ds((c + 2) * CHUNK_W, CHUNK_W + LANES)],
                xb, xsem)

    def outer(i, carry):
        for s, (xb, ob, xsem, osem) in enumerate(
                ((xb0, ob0, xsem0, osem0), (xb1, ob1, xsem1, osem1))):
            c = c_lo + 2 * i + s

            @pl.when(c < c_hi)
            def _():
                process(c, xb, ob, xsem, osem)
        return carry

    lax.fori_loop(0, MAX_PAIRS, outer, 0)

    @pl.when(wid == NW - 1)
    def _():
        pltpu.sync_copy(x_hbm.at[pl.ds(TAIL_LO, TAIL_W)],
                        xbt.at[pl.ds(0, TAIL_W)])
        last = xbt[pl.ds(TAIL_W - LANES, LANES)]
        xbt[pl.ds(TAIL_W, LANES)] = jnp.broadcast_to(last[LANES - 1], (LANES,))
        compute_tile(xbt, obt, TAIL_BLKS // 2, 2)
        pltpu.sync_copy(obt, out_hbm.at[:, pl.ds(TAIL_LO, TAIL_W)])

    pltpu.make_async_copy(ob0, out_hbm.at[:, pl.ds(0, CHUNK_W)], osem0).wait()
    pltpu.make_async_copy(ob1, out_hbm.at[:, pl.ds(0, CHUNK_W)], osem1).wait()


@jax.jit
def kernel(x):
    th = jnp.linspace(-1.0, 1.0, SIZE + 2)[1:-1].astype(jnp.float32)
    run = functools.partial(
        pl.kernel,
        out_type=jax.ShapeDtypeStruct((COLS, N), jnp.float32),
        mesh=plsc.VectorSubcoreMesh(core_axis_name="c", subcore_axis_name="s"),
        compiler_params=pltpu.CompilerParams(needs_layout_passes=False),
        scratch_types=[
            pltpu.VMEM((LANES,), jnp.float32),
            pltpu.VMEM((CHUNK_W + LANES,), jnp.float32),
            pltpu.VMEM((CHUNK_W + LANES,), jnp.float32),
            pltpu.VMEM((COLS, CHUNK_W), jnp.float32),
            pltpu.VMEM((COLS, CHUNK_W), jnp.float32),
            pltpu.VMEM((TAIL_W + LANES,), jnp.float32),
            pltpu.VMEM((COLS, TAIL_W), jnp.float32),
            pltpu.SemaphoreType.DMA,
            pltpu.SemaphoreType.DMA,
            pltpu.SemaphoreType.DMA,
            pltpu.SemaphoreType.DMA,
        ],
    )(_body)
    return run(x, th).T

# --- scband reference (transcript-rebuilt; emitter-appended) ---
"""Pipeline reference for scband-threshold-encode-83468394430851 (READ-ONLY COPY).

The authoritative reference and input builder live on the scoring server;
editing this copy changes nothing except your own understanding.
"""

import jax, jax.numpy as jnp
import numpy as np

LOW = -1.0
HIGH = 1.0
SIZE = 16
N = 500000

def setup_inputs(seed: int = 0) -> dict:
    key = jax.random.key(seed)
    x = jax.random.normal(key, (N,), dtype=jnp.float32)
    return {"x": x}

def reference(x):
    # Faithful translation of ThresholdEncode.forward
    x = jnp.reshape(x, (-1,))
    n = x.shape[0]
    th = jnp.linspace(LOW, HIGH, SIZE + 2)[1:-1]  # [SIZE]
    spike_times = jnp.zeros((n, 2 * SIZE), dtype=jnp.float32)
    x_prev = x[:-1]  # [n-1]
    x_next = x[1:]   # [n-1]
    # Vectorized over the original python loop over j in range(SIZE):
    # idx_up  = nonzero((x_prev <= t) & (x_next > t)); spike_times[idx_up, 2j] = 1
    # idx_down= nonzero((x_prev >  t) & (x_next <= t)); spike_times[idx_down, 2j+1] = 1
    up = (x_prev[:, None] <= th[None, :]) & (x_next[:, None] > th[None, :])    # [n-1, SIZE]
    down = (x_prev[:, None] > th[None, :]) & (x_next[:, None] <= th[None, :])  # [n-1, SIZE]
    # Scatter-overwrite 1.0 into even columns (up-crossings) and odd columns (down-crossings).
    spike_times = spike_times.at[:n - 1, 0::2].set(up.astype(jnp.float32))
    spike_times = spike_times.at[:n - 1, 1::2].set(down.astype(jnp.float32))
    return spike_times

if __name__ == "__main__":
    import jax
    _d = setup_inputs()
    print(jax.jit(kernel)(*tuple(_d.values())))

</pallas_src>

<mosaic_0001>
#map = affine_map<(d0, d1) -> (0)>
#map1 = affine_map<(d0, d1) -> (0, 0)>
module attributes {stable_mosaic.version = 14 : i64} {
  func.func @_body(%arg0: i32, %arg1: i32, %arg2: memref<500000xf32, #tpu.memory_space<hbm>>, %arg3: memref<16xf32, #tpu.memory_space<hbm>>, %arg4: memref<32x500000xf32, #tpu.memory_space<hbm>>, %arg5: memref<16xf32, #tpu.memory_space<vmem>>, %arg6: memref<1040xf32, #tpu.memory_space<vmem>>, %arg7: memref<1040xf32, #tpu.memory_space<vmem>>, %arg8: memref<32x1024xf32, #tpu.memory_space<vmem>>, %arg9: memref<32x1024xf32, #tpu.memory_space<vmem>>, %arg10: memref<304xf32, #tpu.memory_space<vmem>>, %arg11: memref<32x288xf32, #tpu.memory_space<vmem>>, %arg12: memref<!tpu.dma_semaphore, #tpu.memory_space<semaphore_mem>>, %arg13: memref<!tpu.dma_semaphore, #tpu.memory_space<semaphore_mem>>, %arg14: memref<!tpu.dma_semaphore, #tpu.memory_space<semaphore_mem>>, %arg15: memref<!tpu.dma_semaphore, #tpu.memory_space<semaphore_mem>>) attributes {dimension_semantics = [#tpu.dimension_semantics<core_parallel>, #tpu.dimension_semantics<subcore_parallel>], iteration_bounds = array<i64: 2, 16>, scalar_prefetch = 0 : i64, scratch_operands = 11 : i64, tpu.core_type = #tpu.core_type<sc_vector_subcore>, window_params = [{transform_indices = #map}, {transform_indices = #map}, {transform_indices = #map1}]} {
    %mul3A = arith.constant 2 : i32
    %mul3A_0 = arith.muli %arg1, %mul3A : i32
    %add3A = arith.addi %mul3A_0, %arg0 : i32
    %mul3A_1 = arith.constant 15 : i32
    %mul3A_2 = arith.muli %add3A, %mul3A_1 : i32
    %min3A = arith.constant 8 : i32
    %min3A_3 = arith.minsi %add3A, %min3A : i32
    %add3A_4 = arith.addi %mul3A_2, %min3A_3 : i32
    %lt3A = arith.constant 8 : i32
    %lt3A_5 = arith.cmpi slt, %add3A, %lt3A : i32
    %convert_element_type3A = arith.extui %lt3A_5 : i1 to i32
    %add3A_6 = arith.constant 15 : i32
    %add3A_7 = arith.addi %add3A_6, %convert_element_type3A : i32
    %add3A_8 = arith.addi %add3A_4, %add3A_7 : i32
    "tpu.region"() ({
      %run_scoped3A = tpu.sem_alloc : memref<!tpu.dma_semaphore, #tpu.memory_space<semaphore_mem>>
      tpu.enqueue_dma source(%arg3 : memref<16xf32, #tpu.memory_space<hbm>>) target(%arg5 : memref<16xf32, #tpu.memory_space<vmem>>) target_semaphore(%run_scoped3A : memref<!tpu.dma_semaphore, #tpu.memory_space<semaphore_mem>>)
      tpu.wait_dma2 semaphore(%run_scoped3A : memref<!tpu.dma_semaphore, #tpu.memory_space<semaphore_mem>>) src(%arg3 : memref<16xf32, #tpu.memory_space<hbm>>) dst(%arg5 : memref<16xf32, #tpu.memory_space<vmem>>)
      tpu.yield
    }) : () -> ()
    %get3A = arith.constant 0 : index
    %get3A_9 = tpu.vector_load %arg5[%get3A] {strides = array<i32>} : memref<16xf32, #tpu.memory_space<vmem>>, vector<16xf32>,
    %slice3A = vector.extract_strided_slice %get3A_9 {offsets = [0], sizes = [1], strides = [1]} : vector<16xf32> to vector<1xf32>
    %squeeze3A = vector.extract %slice3A[0] : f32 from vector<1xf32>
    %broadcast_in_dim3A = vector.broadcast %squeeze3A : f32 to vector<16xf32>
    %slice3A_10 = vector.extract_strided_slice %get3A_9 {offsets = [1], sizes = [1], strides = [1]} : vector<16xf32> to vector<1xf32>
    %squeeze3A_11 = vector.extract %slice3A_10[0] : f32 from vector<1xf32>
    %broadcast_in_dim3A_12 = vector.broadcast %squeeze3A_11 : f32 to vector<16xf32>
    %slice3A_13 = vector.extract_strided_slice %get3A_9 {offsets = [2], sizes = [1], strides = [1]} : vector<16xf32> to vector<1xf32>
    %squeeze3A_14 = vector.extract %slice3A_13[0] : f32 from vector<1xf32>
    %broadcast_in_dim3A_15 = vector.broadcast %squeeze3A_14 : f32 to vector<16xf32>
    %slice3A_16 = vector.extract_strided_slice %get3A_9 {offsets = [3], sizes = [1], strides = [1]} : vector<16xf32> to vector<1xf32>
    %squeeze3A_17 = vector.extract %slice3A_16[0] : f32 from vector<1xf32>
    %broadcast_in_dim3A_18 = vector.broadcast %squeeze3A_17 : f32 to vector<16xf32>
    %slice3A_19 = vector.extract_strided_slice %get3A_9 {offsets = [4], sizes = [1], strides = [1]} : vector<16xf32> to vector<1xf32>
    %squeeze3A_20 = vector.extract %slice3A_19[0] : f32 from vector<1xf32>
    %broadcast_in_dim3A_21 = vector.broadcast %squeeze3A_20 : f32 to vector<16xf32>
    %slice3A_22 = vector.extract_strided_slice %get3A_9 {offsets = [5], sizes = [1], strides = [1]} : vector<16xf32> to vector<1xf32>
    %squeeze3A_23 = vector.extract %slice3A_22[0] : f32 from vector<1xf32>
    %broadcast_in_dim3A_24 = vector.broadcast %squeeze3A_23 : f32 to vector<16xf32>
    %slice3A_25 = vector.extract_strided_slice %get3A_9 {offsets = [6], sizes = [1], strides = [1]} : vector<16xf32> to vector<1xf32>
    %squeeze3A_26 = vector.extract %slice3A_25[0] : f32 from vector<1xf32>
    %broadcast_in_dim3A_27 = vector.broadcast %squeeze3A_26 : f32 to vector<16xf32>
    %slice3A_28 = vector.extract_strided_slice %get3A_9 {offsets = [7], sizes = [1], strides = [1]} : vector<16xf32> to vector<1xf32>
    %squeeze3A_29 = vector.extract %slice3A_28[0] : f32 from vector<1xf32>
    %broadcast_in_dim3A_30 = vector.broadcast %squeeze3A_29 : f32 to vector<16xf32>
    %slice3A_31 = vector.extract_strided_slice %get3A_9 {offsets = [8], sizes = [1], strides = [1]} : vector<16xf32> to vector<1xf32>
    %squeeze3A_32 = vector.extract %slice3A_31[0] : f32 from vector<1xf32>
    %broadcast_in_dim3A_33 = vector.broadcast %squeeze3A_32 : f32 to vector<16xf32>
    %slice3A_34 = vector.extract_strided_slice %get3A_9 {offsets = [9], sizes = [1], strides = [1]} : vector<16xf32> to vector<1xf32>
    %squeeze3A_35 = vector.extract %slice3A_34[0] : f32 from vector<1xf32>
    %broadcast_in_dim3A_36 = vector.broadcast %squeeze3A_35 : f32 to vector<16xf32>
    %slice3A_37 = vector.extract_strided_slice %get3A_9 {offsets = [10], sizes = [1], strides = [1]} : vector<16xf32> to vector<1xf32>
    %squeeze3A_38 = vector.extract %slice3A_37[0] : f32 from vector<1xf32>
    %broadcast_in_dim3A_39 = vector.broadcast %squeeze3A_38 : f32 to vector<16xf32>
    %slice3A_40 = vector.extract_strided_slice %get3A_9 {offsets = [11], sizes = [1], strides = [1]} : vector<16xf32> to vector<1xf32>
    %squeeze3A_41 = vector.extract %slice3A_40[0] : f32 from vector<1xf32>
    %broadcast_in_dim3A_42 = vector.broadcast %squeeze3A_41 : f32 to vector<16xf32>
    %slice3A_43 = vector.extract_strided_slice %get3A_9 {offsets = [12], sizes = [1], strides = [1]} : vector<16xf32> to vector<1xf32>
    %squeeze3A_44 = vector.extract %slice3A_43[0] : f32 from vector<1xf32>
    %broadcast_in_dim3A_45 = vector.broadcast %squeeze3A_44 : f32 to vector<16xf32>
    %slice3A_46 = vector.extract_strided_slice %get3A_9 {offsets = [13], sizes = [1], strides = [1]} : vector<16xf32> to vector<1xf32>
    %squeeze3A_47 = vector.extract %slice3A_46[0] : f32 from vector<1xf32>
    %broadcast_in_dim3A_48 = vector.broadcast %squeeze3A_47 : f32 to vector<16xf32>
    %slice3A_49 = vector.extract_strided_slice %get3A_9 {offsets = [14], sizes = [1], strides = [1]} : vector<16xf32> to vector<1xf32>
    %squeeze3A_50 = vector.extract %slice3A_49[0] : f32 from vector<1xf32>
    %broadcast_in_dim3A_51 = vector.broadcast %squeeze3A_50 : f32 to vector<16xf32>
    %slice3A_52 = vector.extract_strided_slice %get3A_9 {offsets = [15], sizes = [1], strides = [1]} : vector<16xf32> to vector<1xf32>
    %squeeze3A_53 = vector.extract %slice3A_52[0] : f32 from vector<1xf32>
    %broadcast_in_dim3A_54 = vector.broadcast %squeeze3A_53 : f32 to vector<16xf32>
    %broadcast_in_dim3A_55 = arith.constant 1.000000e+00 : f32
    %broadcast_in_dim3A_56 = vector.broadcast %broadcast_in_dim3A_55 : f32 to vector<16xf32>
    %broadcast_in_dim3A_57 = arith.constant 0.000000e+00 : f32
    %broadcast_in_dim3A_58 = vector.broadcast %broadcast_in_dim3A_57 : f32 to vector<16xf32>
    %mul3A_59 = arith.constant 1024 : i32
    %mul3A_60 = arith.muli %add3A_4, %mul3A_59 : i32
    %dma_start3A = tpu.memref_slice %arg2[%mul3A_60] : memref<500000xf32, #tpu.memory_space<hbm>> -> memref<1040xf32, #tpu.memory_space<hbm>>
    %dma_start3A_61 = tpu.memref_slice %arg2[%mul3A_60] : memref<500000xf32, #tpu.memory_space<hbm>> -> memref<1040xf32, #tpu.memory_space<hbm>>
    tpu.enqueue_dma source(%dma_start3A_61 : memref<1040xf32, #tpu.memory_space<hbm>>) target(%arg6 : memref<1040xf32, #tpu.memory_space<vmem>>) target_semaphore(%arg12 : memref<!tpu.dma_semaphore, #tpu.memory_space<semaphore_mem>>)
    %add3A_62 = arith.constant 1 : i32
    %add3A_63 = arith.addi %add3A_4, %add3A_62 : i32
    %mul3A_64 = arith.constant 1024 : i32
    %mul3A_65 = arith.muli %add3A_63, %mul3A_64 : i32
    %dma_start3A_66 = tpu.memref_slice %arg2[%mul3A_65] : memref<500000xf32, #tpu.memory_space<hbm>> -> memref<1040xf32, #tpu.memory_space<hbm>>
    %dma_start3A_67 = tpu.memref_slice %arg2[%mul3A_65] : memref<500000xf32, #tpu.memory_space<hbm>> -> memref<1040xf32, #tpu.memory_space<hbm>>
    tpu.enqueue_dma source(%dma_start3A_67 : memref<1040xf32, #tpu.memory_space<hbm>>) target(%arg7 : memref<1040xf32, #tpu.memory_space<vmem>>) target_semaphore(%arg13 : memref<!tpu.dma_semaphore, #tpu.memory_space<semaphore_mem>>)
    %scan3A = arith.constant 0 : i32
    %scan3A_68 = arith.constant 0 : i32
    %scan3A_69 = arith.constant 8 : i32
    %scan3A_70 = arith.addi %scan3A_68, %scan3A_69 : i32
    %scan3A_71 = arith.constant 1 : i32
    scf.for %scan3A_87 = %scan3A_68 to %scan3A_70 step %scan3A_71  : i32 {
      %mul3A_88 = arith.constant 2 : i32
      %mul3A_89 = arith.muli %mul3A_88, %scan3A_87 : i32
      %add3A_90 = arith.addi %add3A_4, %mul3A_89 : i32
      %add3A_91 = arith.constant 0 : i32
      %add3A_92 = arith.addi %add3A_90, %add3A_91 : i32
      %lt3A_93 = arith.cmpi slt, %add3A_92, %add3A_8 : i32
      %convert_element_type3A_94 = arith.extui %lt3A_93 : i1 to i32
      %cond3A_95 = arith.constant 0 : i32
      %cond3A_96 = arith.cmpi ne, %convert_element_type3A_94, %cond3A_95 : i32
      scf.if %cond3A_96 {
        %dma_wait3A_106 = arith.constant 0 : i32
        %dma_wait3A_107 = tpu.memref_slice %arg2[%dma_wait3A_106] : memref<500000xf32, #tpu.memory_space<hbm>> -> memref<1040xf32, #tpu.memory_space<hbm>>
        %dma_wait3A_108 = arith.constant 0 : i32
        %dma_wait3A_109 = tpu.memref_slice %arg2[%dma_wait3A_108] : memref<500000xf32, #tpu.memory_space<hbm>> -> memref<1040xf32, #tpu.memory_space<hbm>>
        tpu.wait_dma2 semaphore(%arg12 : memref<!tpu.dma_semaphore, #tpu.memory_space<semaphore_mem>>) src(%dma_wait3A_109 : memref<1040xf32, #tpu.memory_space<hbm>>) dst(%arg6 : memref<1040xf32, #tpu.memory_space<vmem>>)
        %add3A_110 = arith.constant 2 : i32
        %add3A_111 = arith.addi %add3A_4, %add3A_110 : i32
        %ge3A = arith.cmpi sge, %add3A_92, %add3A_111 : i32
        %convert_element_type3A_112 = arith.extui %ge3A : i1 to i32
        %cond3A_113 = arith.constant 0 : i32
        %cond3A_114 = arith.cmpi ne, %convert_element_type3A_112, %cond3A_113 : i32
        scf.if %cond3A_114 {
          %dma_wait3A_133 = arith.constant 0 : i32
          %dma_wait3A_134 = arith.constant 0 : i32
          %dma_wait3A_135 = tpu.memref_slice %arg4[%dma_wait3A_133, %dma_wait3A_134] : memref<32x500000xf32, #tpu.memory_space<hbm>> -> memref<32x1024xf32, #tpu.memory_space<hbm>>
          %dma_wait3A_136 = arith.constant 0 : i32
          %dma_wait3A_137 = arith.constant 0 : i32
          %dma_wait3A_138 = tpu.memref_slice %arg4[%dma_wait3A_136, %dma_wait3A_137] : memref<32x500000xf32, #tpu.memory_space<hbm>> -> memref<32x1024xf32, #tpu.memory_space<hbm>>
          tpu.wait_dma2 semaphore(%arg14 : memref<!tpu.dma_semaphore, #tpu.memory_space<semaphore_mem>>) src(%arg8 : memref<32x1024xf32, #tpu.memory_space<vmem>>) dst(%dma_wait3A_138 : memref<32x1024xf32, #tpu.memory_space<hbm>>)
        } else {
        }
        %scan3A_115 = arith.constant 0 : i32
        %scan3A_116 = arith.constant 0 : i32
        %scan3A_117 = arith.constant 64 : i32
        %scan3A_118 = arith.addi %scan3A_116, %scan3A_117 : i32
        %scan3A_119 = arith.constant 1 : i32
        scf.for %scan3A_133 = %scan3A_116 to %scan3A_118 step %scan3A_119  : i32 {
          %mul3A_134 = arith.constant 16 : i32
          %mul3A_135 = arith.muli %scan3A_133, %mul3A_134 : i32
          %add3A_136 = arith.constant 0 : i32
          %add3A_137 = arith.addi %mul3A_135, %add3A_136 : i32
          %get3A_138 = arith.index_cast %add3A_137 : i32 to index
          %get3A_139 = tpu.vector_load %arg6[%get3A_138] {strides = array<i32>} : memref<1040xf32, #tpu.memory_space<vmem>>, vector<16xf32>,
          %add3A_140 = arith.constant 1 : i32
          %add3A_141 = arith.addi %add3A_137, %add3A_140 : i32
          %get3A_142 = arith.index_cast %add3A_141 : i32 to index
          %get3A_143 = tpu.vector_load %arg6[%get3A_142] {strides = array<i32>} : memref<1040xf32, #tpu.memory_space<vmem>>, vector<16xf32>,
          %le3A = arith.cmpf ole, %get3A_139, %broadcast_in_dim3A : vector<16xf32>
          %le3A_144 = arith.cmpf ole, %get3A_143, %broadcast_in_dim3A : vector<16xf32>
          %gt3A = arith.constant dense<true> : vector<16xi1>
          %gt3A_145 = arith.xori %le3A_144, %gt3A : vector<16xi1>
          %gt3A_146 = arith.andi %le3A, %gt3A_145 : vector<16xi1>
          %select_n3A = arith.select %gt3A_146, %broadcast_in_dim3A_56, %broadcast_in_dim3A_58 : vector<16xi1>, vector<16xf32>
          %swap3A = arith.constant 0 : i32
          %swap3A_147 = arith.index_cast %swap3A : i32 to index
          %swap3A_148 = arith.index_cast %add3A_137 : i32 to index
          %swap3A_149 = tpu.vector_load %arg8[%swap3A_147, %swap3A_148] {strides = array<i32>} : memref<32x1024xf32, #tpu.memory_space<vmem>>, vector<16xf32>,
          tpu.vector_store %arg8[%swap3A_147, %swap3A_148], %select_n3A {strides = array<i32>} : memref<32x1024xf32, #tpu.memory_space<vmem>>, vector<16xf32>,
          %gt3A_150 = arith.constant dense<true> : vector<16xi1>
          %gt3A_151 = arith.xori %le3A, %gt3A_150 : vector<16xi1>
          %gt3A_152 = arith.andi %le3A_144, %gt3A_151 : vector<16xi1>
          %select_n3A_153 = arith.select %gt3A_152, %broadcast_in_dim3A_56, %broadcast_in_dim3A_58 : vector<16xi1>, vector<16xf32>
          %swap3A_154 = arith.constant 1 : i32
          %swap3A_155 = arith.index_cast %swap3A_154 : i32 to index
          %swap3A_156 = arith.index_cast %add3A_137 : i32 to index
          %swap3A_157 = tpu.vector_load %arg8[%swap3A_155, %swap3A_156] {strides = array<i32>} : memref<32x1024xf32, #tpu.memory_space<vmem>>, vector<16xf32>,
          tpu.vector_store %arg8[%swap3A_155, %swap3A_156], %select_n3A_153 {strides = array<i32>} : memref<32x1024xf32, #tpu.memory_space<vmem>>, vector<16xf32>,
          %le3A_158 = arith.cmpf ole, %get3A_139, %broadcast_in_dim3A_12 : vector<16xf32>
          %le3A_159 = arith.cmpf ole, %get3A_143, %broadcast_in_dim3A_12 : vector<16xf32>
          %gt3A_160 = arith.constant dense<true> : vector<16xi1>
          %gt3A_161 = arith.xori %le3A_159, %gt3A_160 : vector<16xi1>
          %gt3A_162 = arith.andi %le3A_158, %gt3A_161 : vector<16xi1>
          %select_n3A_163 = arith.select %gt3A_162, %broadcast_in_dim3A_56, %broadcast_in_dim3A_58 : vector<16xi1>, vector<16xf32>
          %swap3A_164 = arith.constant 2 : i32
          %swap3A_165 = arith.index_cast %swap3A_164 : i32 to index
          %swap3A_166 = arith.index_cast %add3A_137 : i32 to index
          %swap3A_167 = tpu.vector_load %arg8[%swap3A_165, %swap3A_166] {strides = array<i32>} : memref<32x1024xf32, #tpu.memory_space<vmem>>, vector<16xf32>,
          tpu.vector_store %arg8[%swap3A_165, %swap3A_166], %select_n3A_163 {strides = array<i32>} : memref<32x1024xf32, #tpu.memory_space<vmem>>, vector<16xf32>,
          %gt3A_168 = arith.constant dense<true> : vector<16xi1>
          %gt3A_169 = arith.xori %le3A_158, %gt3A_168 : vector<16xi1>
          %gt3A_170 = arith.andi %le3A_159, %gt3A_169 : vector<16xi1>
          %select_n3A_171 = arith.select %gt3A_170, %broadcast_in_dim3A_56, %broadcast_in_dim3A_58 : vector<16xi1>, vector<16xf32>
          %swap3A_172 = arith.constant 3 : i32
          %swap3A_173 = arith.index_cast %swap3A_172 : i32 to index
          %swap3A_174 = arith.index_cast %add3A_137 : i32 to index
          %swap3A_175 = tpu.vector_load %arg8[%swap3A_173, %swap3A_174] {strides = array<i32>} : memref<32x1024xf32, #tpu.memory_space<vmem>>, vector<16xf32>,
          tpu.vector_store %arg8[%swap3A_173, %swap3A_174], %select_n3A_171 {strides = array<i32>} : memref<32x1024xf32, #tpu.memory_space<vmem>>, vector<16xf32>,
          %le3A_176 = arith.cmpf ole, %get3A_139, %broadcast_in_dim3A_15 : vector<16xf32>
          %le3A_177 = arith.cmpf ole, %get3A_143, %broadcast_in_dim3A_15 : vector<16xf32>
          %gt3A_178 = arith.constant dense<true> : vector<16xi1>
          %gt3A_179 = arith.xori %le3A_177, %gt3A_178 : vector<16xi1>
          %gt3A_180 = arith.andi %le3A_176, %gt3A_179 : vector<16xi1>
          %select_n3A_181 = arith.select %gt3A_180, %broadcast_in_dim3A_56, %broadcast_in_dim3A_58 : vector<16xi1>, vector<16xf32>
          %swap3A_182 = arith.constant 4 : i32
          %swap3A_183 = arith.index_cast %swap3A_182 : i32 to index
          %swap3A_184 = arith.index_cast %add3A_137 : i32 to index
          %swap3A_185 = tpu.vector_load %arg8[%swap3A_183, %swap3A_184] {strides = array<i32>} : memref<32x1024xf32, #tpu.memory_space<vmem>>, vector<16xf32>,
          tpu.vector_store %arg8[%swap3A_183, %swap3A_184], %select_n3A_181 {strides = array<i32>} : memref<32x1024xf32, #tpu.memory_space<vmem>>, vector<16xf32>,
          %gt3A_186 = arith.constant dense<true> : vector<16xi1>
          %gt3A_187 = arith.xori %le3A_176, %gt3A_186 : vector<16xi1>
          %gt3A_188 = arith.andi %le3A_177, %gt3A_187 : vector<16xi1>
          %select_n3A_189 = arith.select %gt3A_188, %broadcast_in_dim3A_56, %broadcast_in_dim3A_58 : vector<16xi1>, vector<16xf32>
          %swap3A_190 = arith.constant 5 : i32
          %swap3A_191 = arith.index_cast %swap3A_190 : i32 to index
          %swap3A_192 = arith.index_cast %add3A_137 : i32 to index
          %swap3A_193 = tpu.vector_load %arg8[%swap3A_191, %swap3A_192] {strides = array<i32>} : memref<32x1024xf32, #tpu.memory_space<vmem>>, vector<16xf32>,
          tpu.vector_store %arg8[%swap3A_191, %swap3A_192], %select_n3A_189 {strides = array<i32>} : memref<32x1024xf32, #tpu.memory_space<vmem>>, vector<16xf32>,
          %le3A_194 = arith.cmpf ole, %get3A_139, %broadcast_in_dim3A_18 : vector<16xf32>
          %le3A_195 = arith.cmpf ole, %get3A_143, %broadcast_in_dim3A_18 : vector<16xf32>
          %gt3A_196 = arith.constant dense<true> : vector<16xi1>
          %gt3A_197 = arith.xori %le3A_195, %gt3A_196 : vector<16xi1>
          %gt3A_198 = arith.andi %le3A_194, %gt3A_197 : vector<16xi1>
          %select_n3A_199 = arith.select %gt3A_198, %broadcast_in_dim3A_56, %broadcast_in_dim3A_58 : vector<16xi1>, vector<16xf32>
          %swap3A_200 = arith.constant 6 : i32
          %swap3A_201 = arith.index_cast %swap3A_200 : i32 to index
          %swap3A_202 = arith.index_cast %add3A_137 : i32 to index
          %swap3A_203 = tpu.vector_load %arg8[%swap3A_201, %swap3A_202] {strides = array<i32>} : memref<32x1024xf32, #tpu.memory_space<vmem>>, vector<16xf32>,
          tpu.vector_store %arg8[%swap3A_201, %swap3A_202], %select_n3A_199 {strides = array<i32>} : memref<32x1024xf32, #tpu.memory_space<vmem>>, vector<16xf32>,
          %gt3A_204 = arith.constant dense<true> : vector<16xi1>
          %gt3A_205 = arith.xori %le3A_194, %gt3A_204 : vector<16xi1>
          %gt3A_206 = arith.andi %le3A_195, %gt3A_205 : vector<16xi1>
          %select_n3A_207 = arith.select %gt3A_206, %broadcast_in_dim3A_56, %broadcast_in_dim3A_58 : vector<16xi1>, vector<16xf32>
          %swap3A_208 = arith.constant 7 : i32
          %swap3A_209 = arith.index_cast %swap3A_208 : i32 to index
          %swap3A_210 = arith.index_cast %add3A_137 : i32 to index
          %swap3A_211 = tpu.vector_load %arg8[%swap3A_209, %swap3A_210] {strides = array<i32>} : memref<32x1024xf32, #tpu.memory_space<vmem>>, vector<16xf32>,
          tpu.vector_store %arg8[%swap3A_209, %swap3A_210], %select_n3A_207 {strides = array<i32>} : memref<32x1024xf32, #tpu.memory_space<vmem>>, vector<16xf32>,
          %le3A_212 = arith.cmpf ole, %get3A_139, %broadcast_in_dim3A_21 : vector<16xf32>
          %le3A_213 = arith.cmpf ole, %get3A_143, %broadcast_in_dim3A_21 : vector<16xf32>
          %gt3A_214 = arith.constant dense<true> : vector<16xi1>
          %gt3A_215 = arith.xori %le3A_213, %gt3A_214 : vector<16xi1>
          %gt3A_216 = arith.andi %le3A_212, %gt3A_215 : vector<16xi1>
          %select_n3A_217 = arith.select %gt3A_216, %broadcast_in_dim3A_56, %broadcast_in_dim3A_58 : vector<16xi1>, vector<16xf32>
          %swap3A_218 = arith.constant 8 : i32
          %swap3A_219 = arith.index_cast %swap3A_218 : i32 to index
          %swap3A_220 = arith.index_cast %add3A_137 : i32 to index
          %swap3A_221 = tpu.vector_load %arg8[%swap3A_219, %swap3A_220] {strides = array<i32>} : memref<32x1024xf32, #tpu.memory_space<vmem>>, vector<16xf32>,
          tpu.vector_store %arg8[%swap3A_219, %swap3A_220], %select_n3A_217 {strides = array<i32>} : memref<32x1024xf32, #tpu.memory_space<vmem>>, vector<16xf32>,
          %gt3A_222 = arith.constant dense<true> : vector<16xi1>
          %gt3A_223 = arith.xori %le3A_212, %gt3A_222 : vector<16xi1>
          %gt3A_224 = arith.andi %le3A_213, %gt3A_223 : vector<16xi1>
          %select_n3A_225 = arith.select %gt3A_224, %broadcast_in_dim3A_56, %broadcast_in_dim3A_58 : vector<16xi1>, vector<16xf32>
          %swap3A_226 = arith.constant 9 : i32
          %swap3A_227 = arith.index_cast %swap3A_226 : i32 to index
          %swap3A_228 = arith.index_cast %add3A_137 : i32 to index
          %swap3A_229 = tpu.vector_load %arg8[%swap3A_227, %swap3A_228] {strides = array<i32>} : memref<32x1024xf32, #tpu.memory_space<vmem>>, vector<16xf32>,
          tpu.vector_store %arg8[%swap3A_227, %swap3A_228], %select_n3A_225 {strides = array<i32>} : memref<32x1024xf32, #tpu.memory_space<vmem>>, vector<16xf32>,
          %le3A_230 = arith.cmpf ole, %get3A_139, %broadcast_in_dim3A_24 : vector<16xf32>
          %le3A_231 = arith.cmpf ole, %get3A_143, %broadcast_in_dim3A_24 : vector<16xf32>
          %gt3A_232 = arith.constant dense<true> : vector<16xi1>
          %gt3A_233 = arith.xori %le3A_231, %gt3A_232 : vector<16xi1>
          %gt3A_234 = arith.andi %le3A_230, %gt3A_233 : vector<16xi1>
          %select_n3A_235 = arith.select %gt3A_234, %broadcast_in_dim3A_56, %broadcast_in_dim3A_58 : vector<16xi1>, vector<16xf32>
          %swap3A_236 = arith.constant 10 : i32
          %swap3A_237 = arith.index_cast %swap3A_236 : i32 to index
          %swap3A_238 = arith.index_cast %add3A_137 : i32 to index
          %swap3A_239 = tpu.vector_load %arg8[%swap3A_237, %swap3A_238] {strides = array<i32>} : memref<32x1024xf32, #tpu.memory_space<vmem>>, vector<16xf32>,
          tpu.vector_store %arg8[%swap3A_237, %swap3A_238], %select_n3A_235 {strides = array<i32>} : memref<32x1024xf32, #tpu.memory_space<vmem>>, vector<16xf32>,
          %gt3A_240 = arith.constant dense<true> : vector<16xi1>
          %gt3A_241 = arith.xori %le3A_230, %gt3A_240 : vector<16xi1>
          %gt3A_242 = arith.andi %le3A_231, %gt3A_241 : vector<16xi1>
          %select_n3A_243 = arith.select %gt3A_242, %broadcast_in_dim3A_56, %broadcast_in_dim3A_58 : vector<16xi1>, vector<16xf32>
          %swap3A_244 = arith.constant 11 : i32
          %swap3A_245 = arith.index_cast %swap3A_244 : i32 to index
          %swap3A_246 = arith.index_cast %add3A_137 : i32 to index
          %swap3A_247 = tpu.vector_load %arg8[%swap3A_245, %swap3A_246] {strides = array<i32>} : memref<32x1024xf32, #tpu.memory_space<vmem>>, vector<16xf32>,
          tpu.vector_store %arg8[%swap3A_245, %swap3A_246], %select_n3A_243 {strides = array<i32>} : memref<32x1024xf32, #tpu.memory_space<vmem>>, vector<16xf32>,
          %le3A_248 = arith.cmpf ole, %get3A_139, %broadcast_in_dim3A_27 : vector<16xf32>
          %le3A_249 = arith.cmpf ole, %get3A_143, %broadcast_in_dim3A_27 : vector<16xf32>
          %gt3A_250 = arith.constant dense<true> : vector<16xi1>
          %gt3A_251 = arith.xori %le3A_249, %gt3A_250 : vector<16xi1>
          %gt3A_252 = arith.andi %le3A_248, %gt3A_251 : vector<16xi1>
          %select_n3A_253 = arith.select %gt3A_252, %broadcast_in_dim3A_56, %broadcast_in_dim3A_58 : vector<16xi1>, vector<16xf32>
          %swap3A_254 = arith.constant 12 : i32
          %swap3A_255 = arith.index_cast %swap3A_254 : i32 to index
          %swap3A_256 = arith.index_cast %add3A_137 : i32 to index
          %swap3A_257 = tpu.vector_load %arg8[%swap3A_255, %swap3A_256] {strides = array<i32>} : memref<32x1024xf32, #tpu.memory_space<vmem>>, vector<16xf32>,
          tpu.vector_store %arg8[%swap3A_255, %swap3A_256], %select_n3A_253 {strides = array<i32>} : memref<32x1024xf32, #tpu.memory_space<vmem>>, vector<16xf32>,
          %gt3A_258 = arith.constant dense<true> : vector<16xi1>
          %gt3A_259 = arith.xori %le3A_248, %gt3A_258 : vector<16xi1>
          %gt3A_260 = arith.andi %le3A_249, %gt3A_259 : vector<16xi1>
          %select_n3A_261 = arith.select %gt3A_260, %broadcast_in_dim3A_56, %broadcast_in_dim3A_58 : vector<16xi1>, vector<16xf32>
          %swap3A_262 = arith.constant 13 : i32
          %swap3A_263 = arith.index_cast %swap3A_262 : i32 to index
          %swap3A_264 = arith.index_cast %add3A_137 : i32 to index
          %swap3A_265 = tpu.vector_load %arg8[%swap3A_263, %swap3A_264] {strides = array<i32>} : memref<32x1024xf32, #tpu.memory_space<vmem>>, vector<16xf32>,
          tpu.vector_store %arg8[%swap3A_263, %swap3A_264], %select_n3A_261 {strides = array<i32>} : memref<32x1024xf32, #tpu.memory_space<vmem>>, vector<16xf32>,
          %le3A_266 = arith.cmpf ole, %get3A_139, %broadcast_in_dim3A_30 : vector<16xf32>
          %le3A_267 = arith.cmpf ole, %get3A_143, %broadcast_in_dim3A_30 : vector<16xf32>
          %gt3A_268 = arith.constant dense<true> : vector<16xi1>
          %gt3A_269 = arith.xori %le3A_267, %gt3A_268 : vector<16xi1>
          %gt3A_270 = arith.andi %le3A_266, %gt3A_269 : vector<16xi1>
          %select_n3A_271 = arith.select %gt3A_270, %broadcast_in_dim3A_56, %broadcast_in_dim3A_58 : vector<16xi1>, vector<16xf32>
          %swap3A_272 = arith.constant 14 : i32
          %swap3A_273 = arith.index_cast %swap3A_272 : i32 to index
          %swap3A_274 = arith.index_cast %add3A_137 : i32 to index
          %swap3A_275 = tpu.vector_load %arg8[%swap3A_273, %swap3A_274] {strides = array<i32>} : memref<32x1024xf32, #tpu.memory_space<vmem>>, vector<16xf32>,
          tpu.vector_store %arg8[%swap3A_273, %swap3A_274], %select_n3A_271 {strides = array<i32>} : memref<32x1024xf32, #tpu.memory_space<vmem>>, vector<16xf32>,
          %gt3A_276 = arith.constant dense<true> : vector<16xi1>
          %gt3A_277 = arith.xori %le3A_266, %gt3A_276 : vector<16xi1>
          %gt3A_278 = arith.andi %le3A_267, %gt3A_277 : vector<16xi1>
          %select_n3A_279 = arith.select %gt3A_278, %broadcast_in_dim3A_56, %broadcast_in_dim3A_58 : vector<16xi1>, vector<16xf32>
          %swap3A_280 = arith.constant 15 : i32
          %swap3A_281 = arith.index_cast %swap3A_280 : i32 to index
          %swap3A_282 = arith.index_cast %add3A_137 : i32 to index
          %swap3A_283 = tpu.vector_load %arg8[%swap3A_281, %swap3A_282] {strides = array<i32>} : memref<32x1024xf32, #tpu.memory_space<vmem>>, vector<16xf32>,
          tpu.vector_store %arg8[%swap3A_281, %swap3A_282], %select_n3A_279 {strides = array<i32>} : memref<32x1024xf32, #tpu.memory_space<vmem>>, vector<16xf32>,
          %le3A_284 = arith.cmpf ole, %get3A_139, %broadcast_in_dim3A_33 : vector<16xf32>
          %le3A_285 = arith.cmpf ole, %get3A_143, %broadcast_in_dim3A_33 : vector<16xf32>
          %gt3A_286 = arith.constant dense<true> : vector<16xi1>
          %gt3A_287 = arith.xori %le3A_285, %gt3A_286 : vector<16xi1>
          %gt3A_288 = arith.andi %le3A_284, %gt3A_287 : vector<16xi1>
          %select_n3A_289 = arith.select %gt3A_288, %broadcast_in_dim3A_56, %broadcast_in_dim3A_58 : vector<16xi1>, vector<16xf32>
          %swap3A_290 = arith.constant 16 : i32
          %swap3A_291 = arith.index_cast %swap3A_290 : i32 to index
          %swap3A_292 = arith.index_cast %add3A_137 : i32 to index
          %swap3A_293 = tpu.vector_load %arg8[%swap3A_291, %swap3A_292] {strides = array<i32>} : memref<32x1024xf32, #tpu.memory_space<vmem>>, vector<16xf32>,
          tpu.vector_store %arg8[%swap3A_291, %swap3A_292], %select_n3A_289 {strides = array<i32>} : memref<32x1024xf32, #tpu.memory_space<vmem>>, vector<16xf32>,
          %gt3A_294 = arith.constant dense<true> : vector<16xi1>
          %gt3A_295 = arith.xori %le3A_284, %gt3A_294 : vector<16xi1>
          %gt3A_296 = arith.andi %le3A_285, %gt3A_295 : vector<16xi1>
          %select_n3A_297 = arith.select %gt3A_296, %broadcast_in_dim3A_56, %broadcast_in_dim3A_58 : vector<16xi1>, vector<16xf32>
          %swap3A_298 = arith.constant 17 : i32
          %swap3A_299 = arith.index_cast %swap3A_298 : i32 to index
          %swap3A_300 = arith.index_cast %add3A_137 : i32 to index
          %swap3A_301 = tpu.vector_load %arg8[%swap3A_299, %swap3A_300] {strides = array<i32>} : memref<32x1024xf32, #tpu.memory_space<vmem>>, vector<16xf32>,
          tpu.vector_store %arg8[%swap3A_299, %swap3A_300], %select_n3A_297 {strides = array<i32>} : memref<32x1024xf32, #tpu.memory_space<vmem>>, vector<16xf32>,
          %le3A_302 = arith.cmpf ole, %get3A_139, %broadcast_in_dim3A_36 : vector<16xf32>
          %le3A_303 = arith.cmpf ole, %get3A_143, %broadcast_in_dim3A_36 : vector<16xf32>
          %gt3A_304 = arith.constant dense<true> : vector<16xi1>
          %gt3A_305 = arith.xori %le3A_303, %gt3A_304 : vector<16xi1>
          %gt3A_306 = arith.andi %le3A_302, %gt3A_305 : vector<16xi1>
          %select_n3A_307 = arith.select %gt3A_306, %broadcast_in_dim3A_56, %broadcast_in_dim3A_58 : vector<16xi1>, vector<16xf32>
          %swap3A_308 = arith.constant 18 : i32
          %swap3A_309 = arith.index_cast %swap3A_308 : i32 to index
          %swap3A_310 = arith.index_cast %add3A_137 : i32 to index
          %swap3A_311 = tpu.vector_load %arg8[%swap3A_309, %swap3A_310] {strides = array<i32>} : memref<32x1024xf32, #tpu.memory_space<vmem>>, vector<16xf32>,
          tpu.vector_store %arg8[%swap3A_309, %swap3A_310], %select_n3A_307 {strides = array<i32>} : memref<32x1024xf32, #tpu.memory_space<vmem>>, vector<16xf32>,
          %gt3A_312 = arith.constant dense<true> : vector<16xi1>
          %gt3A_313 = arith.xori %le3A_302, %gt3A_312 : vector<16xi1>
          %gt3A_314 = arith.andi %le3A_303, %gt3A_313 : vector<16xi1>
          %select_n3A_315 = arith.select %gt3A_314, %broadcast_in_dim3A_56, %broadcast_in_dim3A_58 : vector<16xi1>, vector<16xf32>
          %swap3A_316 = arith.constant 19 : i32
          %swap3A_317 = arith.index_cast %swap3A_316 : i32 to index
          %swap3A_318 = arith.index_cast %add3A_137 : i32 to index
          %swap3A_319 = tpu.vector_load %arg8[%swap3A_317, %swap3A_318] {strides = array<i32>} : memref<32x1024xf32, #tpu.memory_space<vmem>>, vector<16xf32>,
          tpu.vector_store %arg8[%swap3A_317, %swap3A_318], %select_n3A_315 {strides = array<i32>} : memref<32x1024xf32, #tpu.memory_space<vmem>>, vector<16xf32>,
          %le3A_320 = arith.cmpf ole, %get3A_139, %broadcast_in_dim3A_39 : vector<16xf32>
          %le3A_321 = arith.cmpf ole, %get3A_143, %broadcast_in_dim3A_39 : vector<16xf32>
          %gt3A_322 = arith.constant dense<true> : vector<16xi1>
          %gt3A_323 = arith.xori %le3A_321, %gt3A_322 : vector<16xi1>
          %gt3A_324 = arith.andi %le3A_320, %gt3A_323 : vector<16xi1>
          %select_n3A_325 = arith.select %gt3A_324, %broadcast_in_dim3A_56, %broadcast_in_dim3A_58 : vector<16xi1>, vector<16xf32>
          %swap3A_326 = arith.constant 20 : i32
          %swap3A_327 = arith.index_cast %swap3A_326 : i32 to index
          %swap3A_328 = arith.index_cast %add3A_137 : i32 to index
          %swap3A_329 = tpu.vector_load %arg8[%swap3A_327, %swap3A_328] {strides = array<i32>} : memref<32x1024xf32, #tpu.memory_space<vmem>>, vector<16xf32>,
          tpu.vector_store %arg8[%swap3A_327, %swap3A_328], %select_n3A_325 {strides = array<i32>} : memref<32x1024xf32, #tpu.memory_space<vmem>>, vector<16xf32>,
          %gt3A_330 = arith.constant dense<true> : vector<16xi1>
          %gt3A_331 = arith.xori %le3A_320, %gt3A_330 : vector<16xi1>
          %gt3A_332 = arith.andi %le3A_321, %gt3A_331 : vector<16xi1>
          %select_n3A_333 = arith.select %gt3A_332, %broadcast_in_dim3A_56, %broadcast_in_dim3A_58 : vector<16xi1>, vector<16xf32>
          %swap3A_334 = arith.constant 21 : i32
          %swap3A_335 = arith.index_cast %swap3A_334 : i32 to index
          %swap3A_336 = arith.index_cast %add3A_137 : i32 to index
          %swap3A_337 = tpu.vector_load %arg8[%swap3A_335, %swap3A_336] {strides = array<i32>} : memref<32x1024xf32, #tpu.memory_space<vmem>>, vector<16xf32>,
          tpu.vector_store %arg8[%swap3A_335, %swap3A_336], %select_n3A_333 {strides = array<i32>} : memref<32x1024xf32, #tpu.memory_space<vmem>>, vector<16xf32>,
          %le3A_338 = arith.cmpf ole, %get3A_139, %broadcast_in_dim3A_42 : vector<16xf32>
          %le3A_339 = arith.cmpf ole, %get3A_143, %broadcast_in_dim3A_42 : vector<16xf32>
          %gt3A_340 = arith.constant dense<true> : vector<16xi1>
          %gt3A_341 = arith.xori %le3A_339, %gt3A_340 : vector<16xi1>
          %gt3A_342 = arith.andi %le3A_338, %gt3A_341 : vector<16xi1>
          %select_n3A_343 = arith.select %gt3A_342, %broadcast_in_dim3A_56, %broadcast_in_dim3A_58 : vector<16xi1>, vector<16xf32>
          %swap3A_344 = arith.constant 22 : i32
          %swap3A_345 = arith.index_cast %swap3A_344 : i32 to index
          %swap3A_346 = arith.index_cast %add3A_137 : i32 to index
          %swap3A_347 = tpu.vector_load %arg8[%swap3A_345, %swap3A_346] {strides = array<i32>} : memref<32x1024xf32, #tpu.memory_space<vmem>>, vector<16xf32>,
          tpu.vector_store %arg8[%swap3A_345, %swap3A_346], %select_n3A_343 {strides = array<i32>} : memref<32x1024xf32, #tpu.memory_space<vmem>>, vector<16xf32>,
          %gt3A_348 = arith.constant dense<true> : vector<16xi1>
          %gt3A_349 = arith.xori %le3A_338, %gt3A_348 : vector<16xi1>
          %gt3A_350 = arith.andi %le3A_339, %gt3A_349 : vector<16xi1>
          %select_n3A_351 = arith.select %gt3A_350, %broadcast_in_dim3A_56, %broadcast_in_dim3A_58 : vector<16xi1>, vector<16xf32>
          %swap3A_352 = arith.constant 23 : i32
          %swap3A_353 = arith.index_cast %swap3A_352 : i32 to index
          %swap3A_354 = arith.index_cast %add3A_137 : i32 to index
          %swap3A_355 = tpu.vector_load %arg8[%swap3A_353, %swap3A_354] {strides = array<i32>} : memref<32x1024xf32, #tpu.memory_space<vmem>>, vector<16xf32>,
          tpu.vector_store %arg8[%swap3A_353, %swap3A_354], %select_n3A_351 {strides = array<i32>} : memref<32x1024xf32, #tpu.memory_space<vmem>>, vector<16xf32>,
          %le3A_356 = arith.cmpf ole, %get3A_139, %broadcast_in_dim3A_45 : vector<16xf32>
          %le3A_357 = arith.cmpf ole, %get3A_143, %broadcast_in_dim3A_45 : vector<16xf32>
          %gt3A_358 = arith.constant dense<true> : vector<16xi1>
          %gt3A_359 = arith.xori %le3A_357, %gt3A_358 : vector<16xi1>
          %gt3A_360 = arith.andi %le3A_356, %gt3A_359 : vector<16xi1>
          %select_n3A_361 = arith.select %gt3A_360, %broadcast_in_dim3A_56, %broadcast_in_dim3A_58 : vector<16xi1>, vector<16xf32>
          %swap3A_362 = arith.constant 24 : i32
          %swap3A_363 = arith.index_cast %swap3A_362 : i32 to index
          %swap3A_364 = arith.index_cast %add3A_137 : i32 to index
          %swap3A_365 = tpu.vector_load %arg8[%swap3A_363, %swap3A_364] {strides = array<i32>} : memref<32x1024xf32, #tpu.memory_space<vmem>>, vector<16xf32>,
          tpu.vector_store %arg8[%swap3A_363, %swap3A_364], %select_n3A_361 {strides = array<i32>} : memref<32x1024xf32, #tpu.memory_space<vmem>>, vector<16xf32>,
          %gt3A_366 = arith.constant dense<true> : vector<16xi1>
          %gt3A_367 = arith.xori %le3A_356, %gt3A_366 : vector<16xi1>
          %gt3A_368 = arith.andi %le3A_357, %gt3A_367 : vector<16xi1>
          %select_n3A_369 = arith.select %gt3A_368, %broadcast_in_dim3A_56, %broadcast_in_dim3A_58 : vector<16xi1>, vector<16xf32>
          %swap3A_370 = arith.constant 25 : i32
          %swap3A_371 = arith.index_cast %swap3A_370 : i32 to index
          %swap3A_372 = arith.index_cast %add3A_137 : i32 to index
          %swap3A_373 = tpu.vector_load %arg8[%swap3A_371, %swap3A_372] {strides = array<i32>} : memref<32x1024xf32, #tpu.memory_space<vmem>>, vector<16xf32>,
          tpu.vector_store %arg8[%swap3A_371, %swap3A_372], %select_n3A_369 {strides = array<i32>} : memref<32x1024xf32, #tpu.memory_space<vmem>>, vector<16xf32>,
          %le3A_374 = arith.cmpf ole, %get3A_139, %broadcast_in_dim3A_48 : vector<16xf32>
          %le3A_375 = arith.cmpf ole, %get3A_143, %broadcast_in_dim3A_48 : vector<16xf32>
          %gt3A_376 = arith.constant dense<true> : vector<16xi1>
          %gt3A_377 = arith.xori %le3A_375, %gt3A_376 : vector<16xi1>
          %gt3A_378 = arith.andi %le3A_374, %gt3A_377 : vector<16xi1>
          %select_n3A_379 = arith.select %gt3A_378, %broadcast_in_dim3A_56, %broadcast_in_dim3A_58 : vector<16xi1>, vector<16xf32>
          %swap3A_380 = arith.constant 26 : i32
          %swap3A_381 = arith.index_cast %swap3A_380 : i32 to index
          %swap3A_382 = arith.index_cast %add3A_137 : i32 to index
          %swap3A_383 = tpu.vector_load %arg8[%swap3A_381, %swap3A_382] {strides = array<i32>} : memref<32x1024xf32, #tpu.memory_space<vmem>>, vector<16xf32>,
          tpu.vector_store %arg8[%swap3A_381, %swap3A_382], %select_n3A_379 {strides = array<i32>} : memref<32x1024xf32, #tpu.memory_space<vmem>>, vector<16xf32>,
          %gt3A_384 = arith.constant dense<true> : vector<16xi1>
          %gt3A_385 = arith.xori %le3A_374, %gt3A_384 : vector<16xi1>
          %gt3A_386 = arith.andi %le3A_375, %gt3A_385 : vector<16xi1>
          %select_n3A_387 = arith.select %gt3A_386, %broadcast_in_dim3A_56, %broadcast_in_dim3A_58 : vector<16xi1>, vector<16xf32>
          %swap3A_388 = arith.constant 27 : i32
          %swap3A_389 = arith.index_cast %swap3A_388 : i32 to index
          %swap3A_390 = arith.index_cast %add3A_137 : i32 to index
          %swap3A_391 = tpu.vector_load %arg8[%swap3A_389, %swap3A_390] {strides = array<i32>} : memref<32x1024xf32, #tpu.memory_space<vmem>>, vector<16xf32>,
          tpu.vector_store %arg8[%swap3A_389, %swap3A_390], %select_n3A_387 {strides = array<i32>} : memref<32x1024xf32, #tpu.memory_space<vmem>>, vector<16xf32>,
          %le3A_392 = arith.cmpf ole, %get3A_139, %broadcast_in_dim3A_51 : vector<16xf32>
          %le3A_393 = arith.cmpf ole, %get3A_143, %broadcast_in_dim3A_51 : vector<16xf32>
          %gt3A_394 = arith.constant dense<true> : vector<16xi1>
          %gt3A_395 = arith.xori %le3A_393, %gt3A_394 : vector<16xi1>
          %gt3A_396 = arith.andi %le3A_392, %gt3A_395 : vector<16xi1>
          %select_n3A_397 = arith.select %gt3A_396, %broadcast_in_dim3A_56, %broadcast_in_dim3A_58 : vector<16xi1>, vector<16xf32>
          %swap3A_398 = arith.constant 28 : i32
          %swap3A_399 = arith.index_cast %swap3A_398 : i32 to index
          %swap3A_400 = arith.index_cast %add3A_137 : i32 to index
          %swap3A_401 = tpu.vector_load %arg8[%swap3A_399, %swap3A_400] {strides = array<i32>} : memref<32x1024xf32, #tpu.memory_space<vmem>>, vector<16xf32>,
          tpu.vector_store %arg8[%swap3A_399, %swap3A_400], %select_n3A_397 {strides = array<i32>} : memref<32x1024xf32, #tpu.memory_space<vmem>>, vector<16xf32>,
          %gt3A_402 = arith.constant dense<true> : vector<16xi1>
          %gt3A_403 = arith.xori %le3A_392, %gt3A_402 : vector<16xi1>
          %gt3A_404 = arith.andi %le3A_393, %gt3A_403 : vector<16xi1>
          %select_n3A_405 = arith.select %gt3A_404, %broadcast_in_dim3A_56, %broadcast_in_dim3A_58 : vector<16xi1>, vector<16xf32>
          %swap3A_406 = arith.constant 29 : i32
          %swap3A_407 = arith.index_cast %swap3A_406 : i32 to index
          %swap3A_408 = arith.index_cast %add3A_137 : i32 to index
          %swap3A_409 = tpu.vector_load %arg8[%swap3A_407, %swap3A_408] {strides = array<i32>} : memref<32x1024xf32, #tpu.memory_space<vmem>>, vector<16xf32>,
          tpu.vector_store %arg8[%swap3A_407, %swap3A_408], %select_n3A_405 {strides = array<i32>} : memref<32x1024xf32, #tpu.memory_space<vmem>>, vector<16xf32>,
          %le3A_410 = arith.cmpf ole, %get3A_139, %broadcast_in_dim3A_54 : vector<16xf32>
          %le3A_411 = arith.cmpf ole, %get3A_143, %broadcast_in_dim3A_54 : vector<16xf32>
          %gt3A_412 = arith.constant dense<true> : vector<16xi1>
          %gt3A_413 = arith.xori %le3A_411, %gt3A_412 : vector<16xi1>
          %gt3A_414 = arith.andi %le3A_410, %gt3A_413 : vector<16xi1>
          %select_n3A_415 = arith.select %gt3A_414, %broadcast_in_dim3A_56, %broadcast_in_dim3A_58 : vector<16xi1>, vector<16xf32>
          %swap3A_416 = arith.constant 30 : i32
          %swap3A_417 = arith.index_cast %swap3A_416 : i32 to index
          %swap3A_418 = arith.index_cast %add3A_137 : i32 to index
          %swap3A_419 = tpu.vector_load %arg8[%swap3A_417, %swap3A_418] {strides = array<i32>} : memref<32x1024xf32, #tpu.memory_space<vmem>>, vector<16xf32>,
          tpu.vector_store %arg8[%swap3A_417, %swap3A_418], %select_n3A_415 {strides = array<i32>} : memref<32x1024xf32, #tpu.memory_space<vmem>>, vector<16xf32>,
          %gt3A_420 = arith.constant dense<true> : vector<16xi1>
          %gt3A_421 = arith.xori %le3A_410, %gt3A_420 : vector<16xi1>
          %gt3A_422 = arith.andi %le3A_411, %gt3A_421 : vector<16xi1>
          %select_n3A_423 = arith.select %gt3A_422, %broadcast_in_dim3A_56, %broadcast_in_dim3A_58 : vector<16xi1>, vector<16xf32>
          %swap3A_424 = arith.constant 31 : i32
          %swap3A_425 = arith.index_cast %swap3A_424 : i32 to index
          %swap3A_426 = arith.index_cast %add3A_137 : i32 to index
          %swap3A_427 = tpu.vector_load %arg8[%swap3A_425, %swap3A_426] {strides = array<i32>} : memref<32x1024xf32, #tpu.memory_space<vmem>>, vector<16xf32>,
          tpu.vector_store %arg8[%swap3A_425, %swap3A_426], %select_n3A_423 {strides = array<i32>} : memref<32x1024xf32, #tpu.memory_space<vmem>>, vector<16xf32>,
        }
        %scan3A_120 = arith.constant 64 : i32
        %mul3A_121 = arith.constant 1024 : i32
        %mul3A_122 = arith.muli %add3A_92, %mul3A_121 : i32
        %dma_start3A_123 = arith.constant 0 : i32
        %dma_start3A_124 = tpu.memref_slice %arg4[%dma_start3A_123, %mul3A_122] : memref<32x500000xf32, #tpu.memory_space<hbm>> -> memref<32x1024xf32, #tpu.memory_space<hbm>>
        %dma_start3A_125 = arith.constant 0 : i32
        %dma_start3A_126 = tpu.memref_slice %arg4[%dma_start3A_125, %mul3A_122] : memref<32x500000xf32, #tpu.memory_space<hbm>> -> memref<32x1024xf32, #tpu.memory_space<hbm>>
        tpu.enqueue_dma source(%arg8 : memref<32x1024xf32, #tpu.memory_space<vmem>>) target(%dma_start3A_126 : memref<32x1024xf32, #tpu.memory_space<hbm>>) target_semaphore(%arg14 : memref<!tpu.dma_semaphore, #tpu.memory_space<semaphore_mem>>)
        %add3A_127 = arith.constant 2 : i32
        %add3A_128 = arith.addi %add3A_92, %add3A_127 : i32
        %lt3A_129 = arith.cmpi slt, %add3A_128, %add3A_8 : i32
        %convert_element_type3A_130 = arith.extui %lt3A_129 : i1 to i32
        %cond3A_131 = arith.constant 0 : i32
        %cond3A_132 = arith.cmpi ne, %convert_element_type3A_130, %cond3A_131 : i32
        scf.if %cond3A_132 {
          %add3A_133 = arith.constant 2 : i32
          %add3A_134 = arith.addi %add3A_92, %add3A_133 : i32
          %mul3A_135 = arith.constant 1024 : i32
          %mul3A_136 = arith.muli %add3A_134, %mul3A_135 : i32
          %dma_start3A_137 = tpu.memref_slice %arg2[%mul3A_136] : memref<500000xf32, #tpu.memory_space<hbm>> -> memref<1040xf32, #tpu.memory_space<hbm>>
          %dma_start3A_138 = tpu.memref_slice %arg2[%mul3A_136] : memref<500000xf32, #tpu.memory_space<hbm>> -> memref<1040xf32, #tpu.memory_space<hbm>>
          tpu.enqueue_dma source(%dma_start3A_138 : memref<1040xf32, #tpu.memory_space<hbm>>) target(%arg6 : memref<1040xf32, #tpu.memory_space<vmem>>) target_semaphore(%arg12 : memref<!tpu.dma_semaphore, #tpu.memory_space<semaphore_mem>>)
        } else {
        }
      } else {
      }
      %mul3A_97 = arith.constant 2 : i32
      %mul3A_98 = arith.muli %mul3A_97, %scan3A_87 : i32
      %add3A_99 = arith.addi %add3A_4, %mul3A_98 : i32
      %add3A_100 = arith.constant 1 : i32
      %add3A_101 = arith.addi %add3A_99, %add3A_100 : i32
      %lt3A_102 = arith.cmpi slt, %add3A_101, %add3A_8 : i32
      %convert_element_type3A_103 = arith.extui %lt3A_102 : i1 to i32
      %cond3A_104 = arith.constant 0 : i32
      %cond3A_105 = arith.cmpi ne, %convert_element_type3A_103, %cond3A_104 : i32
      scf.if %cond3A_105 {
        %dma_wait3A_106 = arith.constant 0 : i32
        %dma_wait3A_107 = tpu.memref_slice %arg2[%dma_wait3A_106] : memref<500000xf32, #tpu.memory_space<hbm>> -> memref<1040xf32, #tpu.memory_space<hbm>>
        %dma_wait3A_108 = arith.constant 0 : i32
        %dma_wait3A_109 = tpu.memref_slice %arg2[%dma_wait3A_108] : memref<500000xf32, #tpu.memory_space<hbm>> -> memref<1040xf32, #tpu.memory_space<hbm>>
        tpu.wait_dma2 semaphore(%arg13 : memref<!tpu.dma_semaphore, #tpu.memory_space<semaphore_mem>>) src(%dma_wait3A_109 : memref<1040xf32, #tpu.memory_space<hbm>>) dst(%arg7 : memref<1040xf32, #tpu.memory_space<vmem>>)
        %add3A_110 = arith.constant 2 : i32
        %add3A_111 = arith.addi %add3A_4, %add3A_110 : i32
        %ge3A = arith.cmpi sge, %add3A_101, %add3A_111 : i32
        %convert_element_type3A_112 = arith.extui %ge3A : i1 to i32
        %cond3A_113 = arith.constant 0 : i32
        %cond3A_114 = arith.cmpi ne, %convert_element_type3A_112, %cond3A_113 : i32
        scf.if %cond3A_114 {
          %dma_wait3A_133 = arith.constant 0 : i32
          %dma_wait3A_134 = arith.constant 0 : i32
          %dma_wait3A_135 = tpu.memref_slice %arg4[%dma_wait3A_133, %dma_wait3A_134] : memref<32x500000xf32, #tpu.memory_space<hbm>> -> memref<32x1024xf32, #tpu.memory_space<hbm>>
          %dma_wait3A_136 = arith.constant 0 : i32
          %dma_wait3A_137 = arith.constant 0 : i32
          %dma_wait3A_138 = tpu.memref_slice %arg4[%dma_wait3A_136, %dma_wait3A_137] : memref<32x500000xf32, #tpu.memory_space<hbm>> -> memref<32x1024xf32, #tpu.memory_space<hbm>>
          tpu.wait_dma2 semaphore(%arg15 : memref<!tpu.dma_semaphore, #tpu.memory_space<semaphore_mem>>) src(%arg9 : memref<32x1024xf32, #tpu.memory_space<vmem>>) dst(%dma_wait3A_138 : memref<32x1024xf32, #tpu.memory_space<hbm>>)
        } else {
        }
        %scan3A_115 = arith.constant 0 : i32
        %scan3A_116 = arith.constant 0 : i32
        %scan3A_117 = arith.constant 64 : i32
        %scan3A_118 = arith.addi %scan3A_116, %scan3A_117 : i32
        %scan3A_119 = arith.constant 1 : i32
        scf.for %scan3A_133 = %scan3A_116 to %scan3A_118 step %scan3A_119  : i32 {
          %mul3A_134 = arith.constant 16 : i32
          %mul3A_135 = arith.muli %scan3A_133, %mul3A_134 : i32
          %add3A_136 = arith.constant 0 : i32
          %add3A_137 = arith.addi %mul3A_135, %add3A_136 : i32
          %get3A_138 = arith.index_cast %add3A_137 : i32 to index
          %get3A_139 = tpu.vector_load %arg7[%get3A_138] {strides = array<i32>} : memref<1040xf32, #tpu.memory_space<vmem>>, vector<16xf32>,
          %add3A_140 = arith.constant 1 : i32
          %add3A_141 = arith.addi %add3A_137, %add3A_140 : i32
          %get3A_142 = arith.index_cast %add3A_141 : i32 to index
          %get3A_143 = tpu.vector_load %arg7[%get3A_142] {strides = array<i32>} : memref<1040xf32, #tpu.memory_space<vmem>>, vector<16xf32>,
          %le3A = arith.cmpf ole, %get3A_139, %broadcast_in_dim3A : vector<16xf32>
          %le3A_144 = arith.cmpf ole, %get3A_143, %broadcast_in_dim3A : vector<16xf32>
          %gt3A = arith.constant dense<true> : vector<16xi1>
          %gt3A_145 = arith.xori %le3A_144, %gt3A : vector<16xi1>
          %gt3A_146 = arith.andi %le3A, %gt3A_145 : vector<16xi1>
          %select_n3A = arith.select %gt3A_146, %broadcast_in_dim3A_56, %broadcast_in_dim3A_58 : vector<16xi1>, vector<16xf32>
          %swap3A = arith.constant 0 : i32
          %swap3A_147 = arith.index_cast %swap3A : i32 to index
          %swap3A_148 = arith.index_cast %add3A_137 : i32 to index
          %swap3A_149 = tpu.vector_load %arg9[%swap3A_147, %swap3A_148] {strides = array<i32>} : memref<32x1024xf32, #tpu.memory_space<vmem>>, vector<16xf32>,
          tpu.vector_store %arg9[%swap3A_147, %swap3A_148], %select_n3A {strides = array<i32>} : memref<32x1024xf32, #tpu.memory_space<vmem>>, vector<16xf32>,
          %gt3A_150 = arith.constant dense<true> : vector<16xi1>
          %gt3A_151 = arith.xori %le3A, %gt3A_150 : vector<16xi1>
          %gt3A_152 = arith.andi %le3A_144, %gt3A_151 : vector<16xi1>
          %select_n3A_153 = arith.select %gt3A_152, %broadcast_in_dim3A_56, %broadcast_in_dim3A_58 : vector<16xi1>, vector<16xf32>
          %swap3A_154 = arith.constant 1 : i32
          %swap3A_155 = arith.index_cast %swap3A_154 : i32 to index
          %swap3A_156 = arith.index_cast %add3A_137 : i32 to index
          %swap3A_157 = tpu.vector_load %arg9[%swap3A_155, %swap3A_156] {strides = array<i32>} : memref<32x1024xf32, #tpu.memory_space<vmem>>, vector<16xf32>,
          tpu.vector_store %arg9[%swap3A_155, %swap3A_156], %select_n3A_153 {strides = array<i32>} : memref<32x1024xf32, #tpu.memory_space<vmem>>, vector<16xf32>,
          %le3A_158 = arith.cmpf ole, %get3A_139, %broadcast_in_dim3A_12 : vector<16xf32>
          %le3A_159 = arith.cmpf ole, %get3A_143, %broadcast_in_dim3A_12 : vector<16xf32>
          %gt3A_160 = arith.constant dense<true> : vector<16xi1>
          %gt3A_161 = arith.xori %le3A_159, %gt3A_160 : vector<16xi1>
          %gt3A_162 = arith.andi %le3A_158, %gt3A_161 : vector<16xi1>
          %select_n3A_163 = arith.select %gt3A_162, %broadcast_in_dim3A_56, %broadcast_in_dim3A_58 : vector<16xi1>, vector<16xf32>
          %swap3A_164 = arith.constant 2 : i32
          %swap3A_165 = arith.index_cast %swap3A_164 : i32 to index
          %swap3A_166 = arith.index_cast %add3A_137 : i32 to index
          %swap3A_167 = tpu.vector_load %arg9[%swap3A_165, %swap3A_166] {strides = array<i32>} : memref<32x1024xf32, #tpu.memory_space<vmem>>, vector<16xf32>,
          tpu.vector_store %arg9[%swap3A_165, %swap3A_166], %select_n3A_163 {strides = array<i32>} : memref<32x1024xf32, #tpu.memory_space<vmem>>, vector<16xf32>,
          %gt3A_168 = arith.constant dense<true> : vector<16xi1>
          %gt3A_169 = arith.xori %le3A_158, %gt3A_168 : vector<16xi1>
          %gt3A_170 = arith.andi %le3A_159, %gt3A_169 : vector<16xi1>
          %select_n3A_171 = arith.select %gt3A_170, %broadcast_in_dim3A_56, %broadcast_in_dim3A_58 : vector<16xi1>, vector<16xf32>
          %swap3A_172 = arith.constant 3 : i32
          %swap3A_173 = arith.index_cast %swap3A_172 : i32 to index
          %swap3A_174 = arith.index_cast %add3A_137 : i32 to index
          %swap3A_175 = tpu.vector_load %arg9[%swap3A_173, %swap3A_174] {strides = array<i32>} : memref<32x1024xf32, #tpu.memory_space<vmem>>, vector<16xf32>,
          tpu.vector_store %arg9[%swap3A_173, %swap3A_174], %select_n3A_171 {strides = array<i32>} : memref<32x1024xf32, #tpu.memory_space<vmem>>, vector<16xf32>,
          %le3A_176 = arith.cmpf ole, %get3A_139, %broadcast_in_dim3A_15 : vector<16xf32>
          %le3A_177 = arith.cmpf ole, %get3A_143, %broadcast_in_dim3A_15 : vector<16xf32>
          %gt3A_178 = arith.constant dense<true> : vector<16xi1>
          %gt3A_179 = arith.xori %le3A_177, %gt3A_178 : vector<16xi1>
          %gt3A_180 = arith.andi %le3A_176, %gt3A_179 : vector<16xi1>
          %select_n3A_181 = arith.select %gt3A_180, %broadcast_in_dim3A_56, %broadcast_in_dim3A_58 : vector<16xi1>, vector<16xf32>
          %swap3A_182 = arith.constant 4 : i32
          %swap3A_183 = arith.index_cast %swap3A_182 : i32 to index
          %swap3A_184 = arith.index_cast %add3A_137 : i32 to index
          %swap3A_185 = tpu.vector_load %arg9[%swap3A_183, %swap3A_184] {strides = array<i32>} : memref<32x1024xf32, #tpu.memory_space<vmem>>, vector<16xf32>,
          tpu.vector_store %arg9[%swap3A_183, %swap3A_184], %select_n3A_181 {strides = array<i32>} : memref<32x1024xf32, #tpu.memory_space<vmem>>, vector<16xf32>,
          %gt3A_186 = arith.constant dense<true> : vector<16xi1>
          %gt3A_187 = arith.xori %le3A_176, %gt3A_186 : vector<16xi1>
          %gt3A_188 = arith.andi %le3A_177, %gt3A_187 : vector<16xi1>
          %select_n3A_189 = arith.select %gt3A_188, %broadcast_in_dim3A_56, %broadcast_in_dim3A_58 : vector<16xi1>, vector<16xf32>
          %swap3A_190 = arith.constant 5 : i32
          %swap3A_191 = arith.index_cast %swap3A_190 : i32 to index
          %swap3A_192 = arith.index_cast %add3A_137 : i32 to index
          %swap3A_193 = tpu.vector_load %arg9[%swap3A_191, %swap3A_192] {strides = array<i32>} : memref<32x1024xf32, #tpu.memory_space<vmem>>, vector<16xf32>,
          tpu.vector_store %arg9[%swap3A_191, %swap3A_192], %select_n3A_189 {strides = array<i32>} : memref<32x1024xf32, #tpu.memory_space<vmem>>, vector<16xf32>,
          %le3A_194 = arith.cmpf ole, %get3A_139, %broadcast_in_dim3A_18 : vector<16xf32>
          %le3A_195 = arith.cmpf ole, %get3A_143, %broadcast_in_dim3A_18 : vector<16xf32>
          %gt3A_196 = arith.constant dense<true> : vector<16xi1>
          %gt3A_197 = arith.xori %le3A_195, %gt3A_196 : vector<16xi1>
          %gt3A_198 = arith.andi %le3A_194, %gt3A_197 : vector<16xi1>
          %select_n3A_199 = arith.select %gt3A_198, %broadcast_in_dim3A_56, %broadcast_in_dim3A_58 : vector<16xi1>, vector<16xf32>
          %swap3A_200 = arith.constant 6 : i32
          %swap3A_201 = arith.index_cast %swap3A_200 : i32 to index
          %swap3A_202 = arith.index_cast %add3A_137 : i32 to index
          %swap3A_203 = tpu.vector_load %arg9[%swap3A_201, %swap3A_202] {strides = array<i32>} : memref<32x1024xf32, #tpu.memory_space<vmem>>, vector<16xf32>,
          tpu.vector_store %arg9[%swap3A_201, %swap3A_202], %select_n3A_199 {strides = array<i32>} : memref<32x1024xf32, #tpu.memory_space<vmem>>, vector<16xf32>,
          %gt3A_204 = arith.constant dense<true> : vector<16xi1>
          %gt3A_205 = arith.xori %le3A_194, %gt3A_204 : vector<16xi1>
          %gt3A_206 = arith.andi %le3A_195, %gt3A_205 : vector<16xi1>
          %select_n3A_207 = arith.select %gt3A_206, %broadcast_in_dim3A_56, %broadcast_in_dim3A_58 : vector<16xi1>, vector<16xf32>
          %swap3A_208 = arith.constant 7 : i32
          %swap3A_209 = arith.index_cast %swap3A_208 : i32 to index
          %swap3A_210 = arith.index_cast %add3A_137 : i32 to index
          %swap3A_211 = tpu.vector_load %arg9[%swap3A_209, %swap3A_210] {strides = array<i32>} : memref<32x1024xf32, #tpu.memory_space<vmem>>, vector<16xf32>,
          tpu.vector_store %arg9[%swap3A_209, %swap3A_210], %select_n3A_207 {strides = array<i32>} : memref<32x1024xf32, #tpu.memory_space<vmem>>, vector<16xf32>,
          %le3A_212 = arith.cmpf ole, %get3A_139, %broadcast_in_dim3A_21 : vector<16xf32>
          %le3A_213 = arith.cmpf ole, %get3A_143, %broadcast_in_dim3A_21 : vector<16xf32>
          %gt3A_214 = arith.constant dense<true> : vector<16xi1>
          %gt3A_215 = arith.xori %le3A_213, %gt3A_214 : vector<16xi1>
          %gt3A_216 = arith.andi %le3A_212, %gt3A_215 : vector<16xi1>
          %select_n3A_217 = arith.select %gt3A_216, %broadcast_in_dim3A_56, %broadcast_in_dim3A_58 : vector<16xi1>, vector<16xf32>
          %swap3A_218 = arith.constant 8 : i32
          %swap3A_219 = arith.index_cast %swap3A_218 : i32 to index
          %swap3A_220 = arith.index_cast %add3A_137 : i32 to index
          %swap3A_221 = tpu.vector_load %arg9[%swap3A_219, %swap3A_220] {strides = array<i32>} : memref<32x1024xf32, #tpu.memory_space<vmem>>, vector<16xf32>,
          tpu.vector_store %arg9[%swap3A_219, %swap3A_220], %select_n3A_217 {strides = array<i32>} : memref<32x1024xf32, #tpu.memory_space<vmem>>, vector<16xf32>,
          %gt3A_222 = arith.constant dense<true> : vector<16xi1>
          %gt3A_223 = arith.xori %le3A_212, %gt3A_222 : vector<16xi1>
          %gt3A_224 = arith.andi %le3A_213, %gt3A_223 : vector<16xi1>
          %select_n3A_225 = arith.select %gt3A_224, %broadcast_in_dim3A_56, %broadcast_in_dim3A_58 : vector<16xi1>, vector<16xf32>
          %swap3A_226 = arith.constant 9 : i32
          %swap3A_227 = arith.index_cast %swap3A_226 : i32 to index
          %swap3A_228 = arith.index_cast %add3A_137 : i32 to index
          %swap3A_229 = tpu.vector_load %arg9[%swap3A_227, %swap3A_228] {strides = array<i32>} : memref<32x1024xf32, #tpu.memory_space<vmem>>, vector<16xf32>,
          tpu.vector_store %arg9[%swap3A_227, %swap3A_228], %select_n3A_225 {strides = array<i32>} : memref<32x1024xf32, #tpu.memory_space<vmem>>, vector<16xf32>,
          %le3A_230 = arith.cmpf ole, %get3A_139, %broadcast_in_dim3A_24 : vector<16xf32>
          %le3A_231 = arith.cmpf ole, %get3A_143, %broadcast_in_dim3A_24 : vector<16xf32>
          %gt3A_232 = arith.constant dense<true> : vector<16xi1>
          %gt3A_233 = arith.xori %le3A_231, %gt3A_232 : vector<16xi1>
          %gt3A_234 = arith.andi %le3A_230, %gt3A_233 : vector<16xi1>
          %select_n3A_235 = arith.select %gt3A_234, %broadcast_in_dim3A_56, %broadcast_in_dim3A_58 : vector<16xi1>, vector<16xf32>
          %swap3A_236 = arith.constant 10 : i32
          %swap3A_237 = arith.index_cast %swap3A_236 : i32 to index
          %swap3A_238 = arith.index_cast %add3A_137 : i32 to index
          %swap3A_239 = tpu.vector_load %arg9[%swap3A_237, %swap3A_238] {strides = array<i32>} : memref<32x1024xf32, #tpu.memory_space<vmem>>, vector<16xf32>,
          tpu.vector_store %arg9[%swap3A_237, %swap3A_238], %select_n3A_235 {strides = array<i32>} : memref<32x1024xf32, #tpu.memory_space<vmem>>, vector<16xf32>,
          %gt3A_240 = arith.constant dense<true> : vector<16xi1>
          %gt3A_241 = arith.xori %le3A_230, %gt3A_240 : vector<16xi1>
          %gt3A_242 = arith.andi %le3A_231, %gt3A_241 : vector<16xi1>
          %select_n3A_243 = arith.select %gt3A_242, %broadcast_in_dim3A_56, %broadcast_in_dim3A_58 : vector<16xi1>, vector<16xf32>
          %swap3A_244 = arith.constant 11 : i32
          %swap3A_245 = arith.index_cast %swap3A_244 : i32 to index
          %swap3A_246 = arith.index_cast %add3A_137 : i32 to index
          %swap3A_247 = tpu.vector_load %arg9[%swap3A_245, %swap3A_246] {strides = array<i32>} : memref<32x1024xf32, #tpu.memory_space<vmem>>, vector<16xf32>,
          tpu.vector_store %arg9[%swap3A_245, %swap3A_246], %select_n3A_243 {strides = array<i32>} : memref<32x1024xf32, #tpu.memory_space<vmem>>, vector<16xf32>,
          %le3A_248 = arith.cmpf ole, %get3A_139, %broadcast_in_dim3A_27 : vector<16xf32>
          %le3A_249 = arith.cmpf ole, %get3A_143, %broadcast_in_dim3A_27 : vector<16xf32>
          %gt3A_250 = arith.constant dense<true> : vector<16xi1>
          %gt3A_251 = arith.xori %le3A_249, %gt3A_250 : vector<16xi1>
          %gt3A_252 = arith.andi %le3A_248, %gt3A_251 : vector<16xi1>
          %select_n3A_253 = arith.select %gt3A_252, %broadcast_in_dim3A_56, %broadcast_in_dim3A_58 : vector<16xi1>, vector<16xf32>
          %swap3A_254 = arith.constant 12 : i32
          %swap3A_255 = arith.index_cast %swap3A_254 : i32 to index
          %swap3A_256 = arith.index_cast %add3A_137 : i32 to index
          %swap3A_257 = tpu.vector_load %arg9[%swap3A_255, %swap3A_256] {strides = array<i32>} : memref<32x1024xf32, #tpu.memory_space<vmem>>, vector<16xf32>,
          tpu.vector_store %arg9[%swap3A_255, %swap3A_256], %select_n3A_253 {strides = array<i32>} : memref<32x1024xf32, #tpu.memory_space<vmem>>, vector<16xf32>,
          %gt3A_258 = arith.constant dense<true> : vector<16xi1>
          %gt3A_259 = arith.xori %le3A_248, %gt3A_258 : vector<16xi1>
          %gt3A_260 = arith.andi %le3A_249, %gt3A_259 : vector<16xi1>
          %select_n3A_261 = arith.select %gt3A_260, %broadcast_in_dim3A_56, %broadcast_in_dim3A_58 : vector<16xi1>, vector<16xf32>
          %swap3A_262 = arith.constant 13 : i32
          %swap3A_263 = arith.index_cast %swap3A_262 : i32 to index
          %swap3A_264 = arith.index_cast %add3A_137 : i32 to index
          %swap3A_265 = tpu.vector_load %arg9[%swap3A_263, %swap3A_264] {strides = array<i32>} : memref<32x1024xf32, #tpu.memory_space<vmem>>, vector<16xf32>,
          tpu.vector_store %arg9[%swap3A_263, %swap3A_264], %select_n3A_261 {strides = array<i32>} : memref<32x1024xf32, #tpu.memory_space<vmem>>, vector<16xf32>,
          %le3A_266 = arith.cmpf ole, %get3A_139, %broadcast_in_dim3A_30 : vector<16xf32>
          %le3A_267 = arith.cmpf ole, %get3A_143, %broadcast_in_dim3A_30 : vector<16xf32>
          %gt3A_268 = arith.constant dense<true> : vector<16xi1>
          %gt3A_269 = arith.xori %le3A_267, %gt3A_268 : vector<16xi1>
          %gt3A_270 = arith.andi %le3A_266, %gt3A_269 : vector<16xi1>
          %select_n3A_271 = arith.select %gt3A_270, %broadcast_in_dim3A_56, %broadcast_in_dim3A_58 : vector<16xi1>, vector<16xf32>
          %swap3A_272 = arith.constant 14 : i32
          %swap3A_273 = arith.index_cast %swap3A_272 : i32 to index
          %swap3A_274 = arith.index_cast %add3A_137 : i32 to index
          %swap3A_275 = tpu.vector_load %arg9[%swap3A_273, %swap3A_274] {strides = array<i32>} : memref<32x1024xf32, #tpu.memory_space<vmem>>, vector<16xf32>,
          tpu.vector_store %arg9[%swap3A_273, %swap3A_274], %select_n3A_271 {strides = array<i32>} : memref<32x1024xf32, #tpu.memory_space<vmem>>, vector<16xf32>,
          %gt3A_276 = arith.constant dense<true> : vector<16xi1>
          %gt3A_277 = arith.xori %le3A_266, %gt3A_276 : vector<16xi1>
          %gt3A_278 = arith.andi %le3A_267, %gt3A_277 : vector<16xi1>
          %select_n3A_279 = arith.select %gt3A_278, %broadcast_in_dim3A_56, %broadcast_in_dim3A_58 : vector<16xi1>, vector<16xf32>
          %swap3A_280 = arith.constant 15 : i32
          %swap3A_281 = arith.index_cast %swap3A_280 : i32 to index
          %swap3A_282 = arith.index_cast %add3A_137 : i32 to index
          %swap3A_283 = tpu.vector_load %arg9[%swap3A_281, %swap3A_282] {strides = array<i32>} : memref<32x1024xf32, #tpu.memory_space<vmem>>, vector<16xf32>,
          tpu.vector_store %arg9[%swap3A_281, %swap3A_282], %select_n3A_279 {strides = array<i32>} : memref<32x1024xf32, #tpu.memory_space<vmem>>, vector<16xf32>,
          %le3A_284 = arith.cmpf ole, %get3A_139, %broadcast_in_dim3A_33 : vector<16xf32>
          %le3A_285 = arith.cmpf ole, %get3A_143, %broadcast_in_dim3A_33 : vector<16xf32>
          %gt3A_286 = arith.constant dense<true> : vector<16xi1>
          %gt3A_287 = arith.xori %le3A_285, %gt3A_286 : vector<16xi1>
          %gt3A_288 = arith.andi %le3A_284, %gt3A_287 : vector<16xi1>
          %select_n3A_289 = arith.select %gt3A_288, %broadcast_in_dim3A_56, %broadcast_in_dim3A_58 : vector<16xi1>, vector<16xf32>
          %swap3A_290 = arith.constant 16 : i32
          %swap3A_291 = arith.index_cast %swap3A_290 : i32 to index
          %swap3A_292 = arith.index_cast %add3A_137 : i32 to index
          %swap3A_293 = tpu.vector_load %arg9[%swap3A_291, %swap3A_292] {strides = array<i32>} : memref<32x1024xf32, #tpu.memory_space<vmem>>, vector<16xf32>,
          tpu.vector_store %arg9[%swap3A_291, %swap3A_292], %select_n3A_289 {strides = array<i32>} : memref<32x1024xf32, #tpu.memory_space<vmem>>, vector<16xf32>,
          %gt3A_294 = arith.constant dense<true> : vector<16xi1>
          %gt3A_295 = arith.xori %le3A_284, %gt3A_294 : vector<16xi1>
          %gt3A_296 = arith.andi %le3A_285, %gt3A_295 : vector<16xi1>
          %select_n3A_297 = arith.select %gt3A_296, %broadcast_in_dim3A_56, %broadcast_in_dim3A_58 : vector<16xi1>, vector<16xf32>
          %swap3A_298 = arith.constant 17 : i32
          %swap3A_299 = arith.index_cast %swap3A_298 : i32 to index
          %swap3A_300 = arith.index_cast %add3A_137 : i32 to index
          %swap3A_301 = tpu.vector_load %arg9[%swap3A_299, %swap3A_300] {strides = array<i32>} : memref<32x1024xf32, #tpu.memory_space<vmem>>, vector<16xf32>,
          tpu.vector_store %arg9[%swap3A_299, %swap3A_300], %select_n3A_297 {strides = array<i32>} : memref<32x1024xf32, #tpu.memory_space<vmem>>, vector<16xf32>,
          %le3A_302 = arith.cmpf ole, %get3A_139, %broadcast_in_dim3A_36 : vector<16xf32>
          %le3A_303 = arith.cmpf ole, %get3A_143, %broadcast_in_dim3A_36 : vector<16xf32>
          %gt3A_304 = arith.constant dense<true> : vector<16xi1>
          %gt3A_305 = arith.xori %le3A_303, %gt3A_304 : vector<16xi1>
          %gt3A_306 = arith.andi %le3A_302, %gt3A_305 : vector<16xi1>
          %select_n3A_307 = arith.select %gt3A_306, %broadcast_in_dim3A_56, %broadcast_in_dim3A_58 : vector<16xi1>, vector<16xf32>
          %swap3A_308 = arith.constant 18 : i32
          %swap3A_309 = arith.index_cast %swap3A_308 : i32 to index
          %swap3A_310 = arith.index_cast %add3A_137 : i32 to index
          %swap3A_311 = tpu.vector_load %arg9[%swap3A_309, %swap3A_310] {strides = array<i32>} : memref<32x1024xf32, #tpu.memory_space<vmem>>, vector<16xf32>,
          tpu.vector_store %arg9[%swap3A_309, %swap3A_310], %select_n3A_307 {strides = array<i32>} : memref<32x1024xf32, #tpu.memory_space<vmem>>, vector<16xf32>,
          %gt3A_312 = arith.constant dense<true> : vector<16xi1>
          %gt3A_313 = arith.xori %le3A_302, %gt3A_312 : vector<16xi1>
          %gt3A_314 = arith.andi %le3A_303, %gt3A_313 : vector<16xi1>
          %select_n3A_315 = arith.select %gt3A_314, %broadcast_in_dim3A_56, %broadcast_in_dim3A_58 : vector<16xi1>, vector<16xf32>
          %swap3A_316 = arith.constant 19 : i32
          %swap3A_317 = arith.index_cast %swap3A_316 : i32 to index
          %swap3A_318 = arith.index_cast %add3A_137 : i32 to index
          %swap3A_319 = tpu.vector_load %arg9[%swap3A_317, %swap3A_318] {strides = array<i32>} : memref<32x1024xf32, #tpu.memory_space<vmem>>, vector<16xf32>,
          tpu.vector_store %arg9[%swap3A_317, %swap3A_318], %select_n3A_315 {strides = array<i32>} : memref<32x1024xf32, #tpu.memory_space<vmem>>, vector<16xf32>,
          %le3A_320 = arith.cmpf ole, %get3A_139, %broadcast_in_dim3A_39 : vector<16xf32>
          %le3A_321 = arith.cmpf ole, %get3A_143, %broadcast_in_dim3A_39 : vector<16xf32>
          %gt3A_322 = arith.constant dense<true> : vector<16xi1>
          %gt3A_323 = arith.xori %le3A_321, %gt3A_322 : vector<16xi1>
          %gt3A_324 = arith.andi %le3A_320, %gt3A_323 : vector<16xi1>
          %select_n3A_325 = arith.select %gt3A_324, %broadcast_in_dim3A_56, %broadcast_in_dim3A_58 : vector<16xi1>, vector<16xf32>
          %swap3A_326 = arith.constant 20 : i32
          %swap3A_327 = arith.index_cast %swap3A_326 : i32 to index
          %swap3A_328 = arith.index_cast %add3A_137 : i32 to index
          %swap3A_329 = tpu.vector_load %arg9[%swap3A_327, %swap3A_328] {strides = array<i32>} : memref<32x1024xf32, #tpu.memory_space<vmem>>, vector<16xf32>,
          tpu.vector_store %arg9[%swap3A_327, %swap3A_328], %select_n3A_325 {strides = array<i32>} : memref<32x1024xf32, #tpu.memory_space<vmem>>, vector<16xf32>,
          %gt3A_330 = arith.constant dense<true> : vector<16xi1>
          %gt3A_331 = arith.xori %le3A_320, %gt3A_330 : vector<16xi1>
          %gt3A_332 = arith.andi %le3A_321, %gt3A_331 : vector<16xi1>
          %select_n3A_333 = arith.select %gt3A_332, %broadcast_in_dim3A_56, %broadcast_in_dim3A_58 : vector<16xi1>, vector<16xf32>
          %swap3A_334 = arith.constant 21 : i32
          %swap3A_335 = arith.index_cast %swap3A_334 : i32 to index
          %swap3A_336 = arith.index_cast %add3A_137 : i32 to index
          %swap3A_337 = tpu.vector_load %arg9[%swap3A_335, %swap3A_336] {strides = array<i32>} : memref<32x1024xf32, #tpu.memory_space<vmem>>, vector<16xf32>,
          tpu.vector_store %arg9[%swap3A_335, %swap3A_336], %select_n3A_333 {strides = array<i32>} : memref<32x1024xf32, #tpu.memory_space<vmem>>, vector<16xf32>,
          %le3A_338 = arith.cmpf ole, %get3A_139, %broadcast_in_dim3A_42 : vector<16xf32>
          %le3A_339 = arith.cmpf ole, %get3A_143, %broadcast_in_dim3A_42 : vector<16xf32>
          %gt3A_340 = arith.constant dense<true> : vector<16xi1>
          %gt3A_341 = arith.xori %le3A_339, %gt3A_340 : vector<16xi1>
          %gt3A_342 = arith.andi %le3A_338, %gt3A_341 : vector<16xi1>
          %select_n3A_343 = arith.select %gt3A_342, %broadcast_in_dim3A_56, %broadcast_in_dim3A_58 : vector<16xi1>, vector<16xf32>
          %swap3A_344 = arith.constant 22 : i32
          %swap3A_345 = arith.index_cast %swap3A_344 : i32 to index
          %swap3A_346 = arith.index_cast %add3A_137 : i32 to index
          %swap3A_347 = tpu.vector_load %arg9[%swap3A_345, %swap3A_346] {strides = array<i32>} : memref<32x1024xf32, #tpu.memory_space<vmem>>, vector<16xf32>,
          tpu.vector_store %arg9[%swap3A_345, %swap3A_346], %select_n3A_343 {strides = array<i32>} : memref<32x1024xf32, #tpu.memory_space<vmem>>, vector<16xf32>,
          %gt3A_348 = arith.constant dense<true> : vector<16xi1>
          %gt3A_349 = arith.xori %le3A_338, %gt3A_348 : vector<16xi1>
          %gt3A_350 = arith.andi %le3A_339, %gt3A_349 : vector<16xi1>
          %select_n3A_351 = arith.select %gt3A_350, %broadcast_in_dim3A_56, %broadcast_in_dim3A_58 : vector<16xi1>, vector<16xf32>
          %swap3A_352 = arith.constant 23 : i32
          %swap3A_353 = arith.index_cast %swap3A_352 : i32 to index
          %swap3A_354 = arith.index_cast %add3A_137 : i32 to index
          %swap3A_355 = tpu.vector_load %arg9[%swap3A_353, %swap3A_354] {strides = array<i32>} : memref<32x1024xf32, #tpu.memory_space<vmem>>, vector<16xf32>,
          tpu.vector_store %arg9[%swap3A_353, %swap3A_354], %select_n3A_351 {strides = array<i32>} : memref<32x1024xf32, #tpu.memory_space<vmem>>, vector<16xf32>,
          %le3A_356 = arith.cmpf ole, %get3A_139, %broadcast_in_dim3A_45 : vector<16xf32>
          %le3A_357 = arith.cmpf ole, %get3A_143, %broadcast_in_dim3A_45 : vector<16xf32>
          %gt3A_358 = arith.constant dense<true> : vector<16xi1>
          %gt3A_359 = arith.xori %le3A_357, %gt3A_358 : vector<16xi1>
          %gt3A_360 = arith.andi %le3A_356, %gt3A_359 : vector<16xi1>
          %select_n3A_361 = arith.select %gt3A_360, %broadcast_in_dim3A_56, %broadcast_in_dim3A_58 : vector<16xi1>, vector<16xf32>
          %swap3A_362 = arith.constant 24 : i32
          %swap3A_363 = arith.index_cast %swap3A_362 : i32 to index
          %swap3A_364 = arith.index_cast %add3A_137 : i32 to index
          %swap3A_365 = tpu.vector_load %arg9[%swap3A_363, %swap3A_364] {strides = array<i32>} : memref<32x1024xf32, #tpu.memory_space<vmem>>, vector<16xf32>,
          tpu.vector_store %arg9[%swap3A_363, %swap3A_364], %select_n3A_361 {strides = array<i32>} : memref<32x1024xf32, #tpu.memory_space<vmem>>, vector<16xf32>,
          %gt3A_366 = arith.constant dense<true> : vector<16xi1>
          %gt3A_367 = arith.xori %le3A_356, %gt3A_366 : vector<16xi1>
          %gt3A_368 = arith.andi %le3A_357, %gt3A_367 : vector<16xi1>
          %select_n3A_369 = arith.select %gt3A_368, %broadcast_in_dim3A_56, %broadcast_in_dim3A_58 : vector<16xi1>, vector<16xf32>
          %swap3A_370 = arith.constant 25 : i32
          %swap3A_371 = arith.index_cast %swap3A_370 : i32 to index
          %swap3A_372 = arith.index_cast %add3A_137 : i32 to index
          %swap3A_373 = tpu.vector_load %arg9[%swap3A_371, %swap3A_372] {strides = array<i32>} : memref<32x1024xf32, #tpu.memory_space<vmem>>, vector<16xf32>,
          tpu.vector_store %arg9[%swap3A_371, %swap3A_372], %select_n3A_369 {strides = array<i32>} : memref<32x1024xf32, #tpu.memory_space<vmem>>, vector<16xf32>,
          %le3A_374 = arith.cmpf ole, %get3A_139, %broadcast_in_dim3A_48 : vector<16xf32>
          %le3A_375 = arith.cmpf ole, %get3A_143, %broadcast_in_dim3A_48 : vector<16xf32>
          %gt3A_376 = arith.constant dense<true> : vector<16xi1>
          %gt3A_377 = arith.xori %le3A_375, %gt3A_376 : vector<16xi1>
          %gt3A_378 = arith.andi %le3A_374, %gt3A_377 : vector<16xi1>
          %select_n3A_379 = arith.select %gt3A_378, %broadcast_in_dim3A_56, %broadcast_in_dim3A_58 : vector<16xi1>, vector<16xf32>
          %swap3A_380 = arith.constant 26 : i32
          %swap3A_381 = arith.index_cast %swap3A_380 : i32 to index
          %swap3A_382 = arith.index_cast %add3A_137 : i32 to index
          %swap3A_383 = tpu.vector_load %arg9[%swap3A_381, %swap3A_382] {strides = array<i32>} : memref<32x1024xf32, #tpu.memory_space<vmem>>, vector<16xf32>,
          tpu.vector_store %arg9[%swap3A_381, %swap3A_382], %select_n3A_379 {strides = array<i32>} : memref<32x1024xf32, #tpu.memory_space<vmem>>, vector<16xf32>,
          %gt3A_384 = arith.constant dense<true> : vector<16xi1>
          %gt3A_385 = arith.xori %le3A_374, %gt3A_384 : vector<16xi1>
          %gt3A_386 = arith.andi %le3A_375, %gt3A_385 : vector<16xi1>
          %select_n3A_387 = arith.select %gt3A_386, %broadcast_in_dim3A_56, %broadcast_in_dim3A_58 : vector<16xi1>, vector<16xf32>
          %swap3A_388 = arith.constant 27 : i32
          %swap3A_389 = arith.index_cast %swap3A_388 : i32 to index
          %swap3A_390 = arith.index_cast %add3A_137 : i32 to index
          %swap3A_391 = tpu.vector_load %arg9[%swap3A_389, %swap3A_390] {strides = array<i32>} : memref<32x1024xf32, #tpu.memory_space<vmem>>, vector<16xf32>,
          tpu.vector_store %arg9[%swap3A_389, %swap3A_390], %select_n3A_387 {strides = array<i32>} : memref<32x1024xf32, #tpu.memory_space<vmem>>, vector<16xf32>,
          %le3A_392 = arith.cmpf ole, %get3A_139, %broadcast_in_dim3A_51 : vector<16xf32>
          %le3A_393 = arith.cmpf ole, %get3A_143, %broadcast_in_dim3A_51 : vector<16xf32>
          %gt3A_394 = arith.constant dense<true> : vector<16xi1>
          %gt3A_395 = arith.xori %le3A_393, %gt3A_394 : vector<16xi1>
          %gt3A_396 = arith.andi %le3A_392, %gt3A_395 : vector<16xi1>
          %select_n3A_397 = arith.select %gt3A_396, %broadcast_in_dim3A_56, %broadcast_in_dim3A_58 : vector<16xi1>, vector<16xf32>
          %swap3A_398 = arith.constant 28 : i32
          %swap3A_399 = arith.index_cast %swap3A_398 : i32 to index
          %swap3A_400 = arith.index_cast %add3A_137 : i32 to index
          %swap3A_401 = tpu.vector_load %arg9[%swap3A_399, %swap3A_400] {strides = array<i32>} : memref<32x1024xf32, #tpu.memory_space<vmem>>, vector<16xf32>,
          tpu.vector_store %arg9[%swap3A_399, %swap3A_400], %select_n3A_397 {strides = array<i32>} : memref<32x1024xf32, #tpu.memory_space<vmem>>, vector<16xf32>,
          %gt3A_402 = arith.constant dense<true> : vector<16xi1>
          %gt3A_403 = arith.xori %le3A_392, %gt3A_402 : vector<16xi1>
          %gt3A_404 = arith.andi %le3A_393, %gt3A_403 : vector<16xi1>
          %select_n3A_405 = arith.select %gt3A_404, %broadcast_in_dim3A_56, %broadcast_in_dim3A_58 : vector<16xi1>, vector<16xf32>
          %swap3A_406 = arith.constant 29 : i32
          %swap3A_407 = arith.index_cast %swap3A_406 : i32 to index
          %swap3A_408 = arith.index_cast %add3A_137 : i32 to index
          %swap3A_409 = tpu.vector_load %arg9[%swap3A_407, %swap3A_408] {strides = array<i32>} : memref<32x1024xf32, #tpu.memory_space<vmem>>, vector<16xf32>,
          tpu.vector_store %arg9[%swap3A_407, %swap3A_408], %select_n3A_405 {strides = array<i32>} : memref<32x1024xf32, #tpu.memory_space<vmem>>, vector<16xf32>,
          %le3A_410 = arith.cmpf ole, %get3A_139, %broadcast_in_dim3A_54 : vector<16xf32>
          %le3A_411 = arith.cmpf ole, %get3A_143, %broadcast_in_dim3A_54 : vector<16xf32>
          %gt3A_412 = arith.constant dense<true> : vector<16xi1>
          %gt3A_413 = arith.xori %le3A_411, %gt3A_412 : vector<16xi1>
          %gt3A_414 = arith.andi %le3A_410, %gt3A_413 : vector<16xi1>
          %select_n3A_415 = arith.select %gt3A_414, %broadcast_in_dim3A_56, %broadcast_in_dim3A_58 : vector<16xi1>, vector<16xf32>
          %swap3A_416 = arith.constant 30 : i32
          %swap3A_417 = arith.index_cast %swap3A_416 : i32 to index
          %swap3A_418 = arith.index_cast %add3A_137 : i32 to index
          %swap3A_419 = tpu.vector_load %arg9[%swap3A_417, %swap3A_418] {strides = array<i32>} : memref<32x1024xf32, #tpu.memory_space<vmem>>, vector<16xf32>,
          tpu.vector_store %arg9[%swap3A_417, %swap3A_418], %select_n3A_415 {strides = array<i32>} : memref<32x1024xf32, #tpu.memory_space<vmem>>, vector<16xf32>,
          %gt3A_420 = arith.constant dense<true> : vector<16xi1>
          %gt3A_421 = arith.xori %le3A_410, %gt3A_420 : vector<16xi1>
          %gt3A_422 = arith.andi %le3A_411, %gt3A_421 : vector<16xi1>
          %select_n3A_423 = arith.select %gt3A_422, %broadcast_in_dim3A_56, %broadcast_in_dim3A_58 : vector<16xi1>, vector<16xf32>
          %swap3A_424 = arith.constant 31 : i32
          %swap3A_425 = arith.index_cast %swap3A_424 : i32 to index
          %swap3A_426 = arith.index_cast %add3A_137 : i32 to index
          %swap3A_427 = tpu.vector_load %arg9[%swap3A_425, %swap3A_426] {strides = array<i32>} : memref<32x1024xf32, #tpu.memory_space<vmem>>, vector<16xf32>,
          tpu.vector_store %arg9[%swap3A_425, %swap3A_426], %select_n3A_423 {strides = array<i32>} : memref<32x1024xf32, #tpu.memory_space<vmem>>, vector<16xf32>,
        }
        %scan3A_120 = arith.constant 64 : i32
        %mul3A_121 = arith.constant 1024 : i32
        %mul3A_122 = arith.muli %add3A_101, %mul3A_121 : i32
        %dma_start3A_123 = arith.constant 0 : i32
        %dma_start3A_124 = tpu.memref_slice %arg4[%dma_start3A_123, %mul3A_122] : memref<32x500000xf32, #tpu.memory_space<hbm>> -> memref<32x1024xf32, #tpu.memory_space<hbm>>
        %dma_start3A_125 = arith.constant 0 : i32
        %dma_start3A_126 = tpu.memref_slice %arg4[%dma_start3A_125, %mul3A_122] : memref<32x500000xf32, #tpu.memory_space<hbm>> -> memref<32x1024xf32, #tpu.memory_space<hbm>>
        tpu.enqueue_dma source(%arg9 : memref<32x1024xf32, #tpu.memory_space<vmem>>) target(%dma_start3A_126 : memref<32x1024xf32, #tpu.memory_space<hbm>>) target_semaphore(%arg15 : memref<!tpu.dma_semaphore, #tpu.memory_space<semaphore_mem>>)
        %add3A_127 = arith.constant 2 : i32
        %add3A_128 = arith.addi %add3A_101, %add3A_127 : i32
        %lt3A_129 = arith.cmpi slt, %add3A_128, %add3A_8 : i32
        %convert_element_type3A_130 = arith.extui %lt3A_129 : i1 to i32
        %cond3A_131 = arith.constant 0 : i32
        %cond3A_132 = arith.cmpi ne, %convert_element_type3A_130, %cond3A_131 : i32
        scf.if %cond3A_132 {
          %add3A_133 = arith.constant 2 : i32
          %add3A_134 = arith.addi %add3A_101, %add3A_133 : i32
          %mul3A_135 = arith.constant 1024 : i32
          %mul3A_136 = arith.muli %add3A_134, %mul3A_135 : i32
          %dma_start3A_137 = tpu.memref_slice %arg2[%mul3A_136] : memref<500000xf32, #tpu.memory_space<hbm>> -> memref<1040xf32, #tpu.memory_space<hbm>>
          %dma_start3A_138 = tpu.memref_slice %arg2[%mul3A_136] : memref<500000xf32, #tpu.memory_space<hbm>> -> memref<1040xf32, #tpu.memory_space<hbm>>
          tpu.enqueue_dma source(%dma_start3A_138 : memref<1040xf32, #tpu.memory_space<hbm>>) target(%arg7 : memref<1040xf32, #tpu.memory_space<vmem>>) target_semaphore(%arg13 : memref<!tpu.dma_semaphore, #tpu.memory_space<semaphore_mem>>)
        } else {
        }
      } else {
      }
    }
    %scan3A_72 = arith.constant 8 : i32
    %eq3A = arith.constant 31 : i32
    %eq3A_73 = arith.cmpi eq, %add3A, %eq3A : i32
    %convert_element_type3A_74 = arith.extui %eq3A_73 : i1 to i32
    %cond3A = arith.constant 0 : i32
    %cond3A_75 = arith.cmpi ne, %convert_element_type3A_74, %cond3A : i32
    scf.if %cond3A_75 {
      "tpu.region"() ({
        %run_scoped3A = tpu.sem_alloc : memref<!tpu.dma_semaphore, #tpu.memory_space<semaphore_mem>>
        %dma_start3A_99 = arith.constant 0 : i32
        %dma_start3A_100 = tpu.memref_slice %arg10[%dma_start3A_99] : memref<304xf32, #tpu.memory_space<vmem>> -> memref<288xf32, #tpu.memory_space<vmem>>
        %dma_start3A_101 = arith.constant 499712 : i32
        %dma_start3A_102 = tpu.memref_slice %arg2[%dma_start3A_101] : memref<500000xf32, #tpu.memory_space<hbm>> -> memref<288xf32, #tpu.memory_space<hbm>>
        %dma_start3A_103 = arith.constant 0 : i32
        %dma_start3A_104 = tpu.memref_slice %arg10[%dma_start3A_103] : memref<304xf32, #tpu.memory_space<vmem>> -> memref<288xf32, #tpu.memory_space<vmem>>
        %dma_start3A_105 = arith.constant 499712 : i32
        %dma_start3A_106 = tpu.memref_slice %arg2[%dma_start3A_105] : memref<500000xf32, #tpu.memory_space<hbm>> -> memref<288xf32, #tpu.memory_space<hbm>>
        tpu.enqueue_dma source(%dma_start3A_106 : memref<288xf32, #tpu.memory_space<hbm>>) target(%dma_start3A_104 : memref<288xf32, #tpu.memory_space<vmem>>) target_semaphore(%run_scoped3A : memref<!tpu.dma_semaphore, #tpu.memory_space<semaphore_mem>>)
        %dma_wait3A_107 = arith.constant 0 : i32
        %dma_wait3A_108 = tpu.memref_slice %arg10[%dma_wait3A_107] : memref<304xf32, #tpu.memory_space<vmem>> -> memref<288xf32, #tpu.memory_space<vmem>>
        %dma_wait3A_109 = arith.constant 499712 : i32
        %dma_wait3A_110 = tpu.memref_slice %arg2[%dma_wait3A_109] : memref<500000xf32, #tpu.memory_space<hbm>> -> memref<288xf32, #tpu.memory_space<hbm>>
        %dma_wait3A_111 = arith.constant 0 : i32
        %dma_wait3A_112 = tpu.memref_slice %arg10[%dma_wait3A_111] : memref<304xf32, #tpu.memory_space<vmem>> -> memref<288xf32, #tpu.memory_space<vmem>>
        %dma_wait3A_113 = arith.constant 499712 : i32
        %dma_wait3A_114 = tpu.memref_slice %arg2[%dma_wait3A_113] : memref<500000xf32, #tpu.memory_space<hbm>> -> memref<288xf32, #tpu.memory_space<hbm>>
        tpu.wait_dma2 semaphore(%run_scoped3A : memref<!tpu.dma_semaphore, #tpu.memory_space<semaphore_mem>>) src(%dma_wait3A_114 : memref<288xf32, #tpu.memory_space<hbm>>) dst(%dma_wait3A_112 : memref<288xf32, #tpu.memory_space<vmem>>)
        tpu.yield
      }) : () -> ()
      %get3A_87 = arith.constant 272 : index
      %get3A_88 = tpu.vector_load %arg10[%get3A_87] {strides = array<i32>} : memref<304xf32, #tpu.memory_space<vmem>>, vector<16xf32>,
      %slice3A_89 = vector.extract_strided_slice %get3A_88 {offsets = [15], sizes = [1], strides = [1]} : vector<16xf32> to vector<1xf32>
      %squeeze3A_90 = vector.extract %slice3A_89[0] : f32 from vector<1xf32>
      %broadcast_in_dim3A_91 = vector.broadcast %squeeze3A_90 : f32 to vector<16xf32>
      %swap3A = arith.constant 288 : index
      %swap3A_92 = tpu.vector_load %arg10[%swap3A] {strides = array<i32>} : memref<304xf32, #tpu.memory_space<vmem>>, vector<16xf32>,
      tpu.vector_store %arg10[%swap3A], %broadcast_in_dim3A_91 {strides = array<i32>} : memref<304xf32, #tpu.memory_space<vmem>>, vector<16xf32>,
      %scan3A_93 = arith.constant 0 : i32
      %scan3A_94 = arith.constant 0 : i32
      %scan3A_95 = arith.constant 9 : i32
      %scan3A_96 = arith.addi %scan3A_94, %scan3A_95 : i32
      %scan3A_97 = arith.constant 1 : i32
      scf.for %scan3A_99 = %scan3A_94 to %scan3A_96 step %scan3A_97  : i32 {
        %mul3A_100 = arith.constant 32 : i32
        %mul3A_101 = arith.muli %scan3A_99, %mul3A_100 : i32
        %add3A_102 = arith.constant 0 : i32
        %add3A_103 = arith.addi %mul3A_101, %add3A_102 : i32
        %get3A_104 = arith.index_cast %add3A_103 : i32 to index
        %get3A_105 = tpu.vector_load %arg10[%get3A_104] {strides = array<i32>} : memref<304xf32, #tpu.memory_space<vmem>>, vector<16xf32>,
        %add3A_106 = arith.constant 1 : i32
        %add3A_107 = arith.addi %add3A_103, %add3A_106 : i32
        %get3A_108 = arith.index_cast %add3A_107 : i32 to index
        %get3A_109 = tpu.vector_load %arg10[%get3A_108] {strides = array<i32>} : memref<304xf32, #tpu.memory_space<vmem>>, vector<16xf32>,
        %le3A = arith.cmpf ole, %get3A_105, %broadcast_in_dim3A : vector<16xf32>
        %le3A_110 = arith.cmpf ole, %get3A_109, %broadcast_in_dim3A : vector<16xf32>
        %gt3A = arith.constant dense<true> : vector<16xi1>
        %gt3A_111 = arith.xori %le3A_110, %gt3A : vector<16xi1>
        %gt3A_112 = arith.andi %le3A, %gt3A_111 : vector<16xi1>
        %select_n3A = arith.select %gt3A_112, %broadcast_in_dim3A_56, %broadcast_in_dim3A_58 : vector<16xi1>, vector<16xf32>
        %swap3A_113 = arith.constant 0 : i32
        %swap3A_114 = arith.index_cast %swap3A_113 : i32 to index
        %swap3A_115 = arith.index_cast %add3A_103 : i32 to index
        %swap3A_116 = tpu.vector_load %arg11[%swap3A_114, %swap3A_115] {strides = array<i32>} : memref<32x288xf32, #tpu.memory_space<vmem>>, vector<16xf32>,
        tpu.vector_store %arg11[%swap3A_114, %swap3A_115], %select_n3A {strides = array<i32>} : memref<32x288xf32, #tpu.memory_space<vmem>>, vector<16xf32>,
        %gt3A_117 = arith.constant dense<true> : vector<16xi1>
        %gt3A_118 = arith.xori %le3A, %gt3A_117 : vector<16xi1>
        %gt3A_119 = arith.andi %le3A_110, %gt3A_118 : vector<16xi1>
        %select_n3A_120 = arith.select %gt3A_119, %broadcast_in_dim3A_56, %broadcast_in_dim3A_58 : vector<16xi1>, vector<16xf32>
        %swap3A_121 = arith.constant 1 : i32
        %swap3A_122 = arith.index_cast %swap3A_121 : i32 to index
        %swap3A_123 = arith.index_cast %add3A_103 : i32 to index
        %swap3A_124 = tpu.vector_load %arg11[%swap3A_122, %swap3A_123] {strides = array<i32>} : memref<32x288xf32, #tpu.memory_space<vmem>>, vector<16xf32>,
        tpu.vector_store %arg11[%swap3A_122, %swap3A_123], %select_n3A_120 {strides = array<i32>} : memref<32x288xf32, #tpu.memory_space<vmem>>, vector<16xf32>,
        %le3A_125 = arith.cmpf ole, %get3A_105, %broadcast_in_dim3A_12 : vector<16xf32>
        %le3A_126 = arith.cmpf ole, %get3A_109, %broadcast_in_dim3A_12 : vector<16xf32>
        %gt3A_127 = arith.constant dense<true> : vector<16xi1>
        %gt3A_128 = arith.xori %le3A_126, %gt3A_127 : vector<16xi1>
        %gt3A_129 = arith.andi %le3A_125, %gt3A_128 : vector<16xi1>
        %select_n3A_130 = arith.select %gt3A_129, %broadcast_in_dim3A_56, %broadcast_in_dim3A_58 : vector<16xi1>, vector<16xf32>
        %swap3A_131 = arith.constant 2 : i32
        %swap3A_132 = arith.index_cast %swap3A_131 : i32 to index
        %swap3A_133 = arith.index_cast %add3A_103 : i32 to index
        %swap3A_134 = tpu.vector_load %arg11[%swap3A_132, %swap3A_133] {strides = array<i32>} : memref<32x288xf32, #tpu.memory_space<vmem>>, vector<16xf32>,
        tpu.vector_store %arg11[%swap3A_132, %swap3A_133], %select_n3A_130 {strides = array<i32>} : memref<32x288xf32, #tpu.memory_space<vmem>>, vector<16xf32>,
        %gt3A_135 = arith.constant dense<true> : vector<16xi1>
        %gt3A_136 = arith.xori %le3A_125, %gt3A_135 : vector<16xi1>
        %gt3A_137 = arith.andi %le3A_126, %gt3A_136 : vector<16xi1>
        %select_n3A_138 = arith.select %gt3A_137, %broadcast_in_dim3A_56, %broadcast_in_dim3A_58 : vector<16xi1>, vector<16xf32>
        %swap3A_139 = arith.constant 3 : i32
        %swap3A_140 = arith.index_cast %swap3A_139 : i32 to index
        %swap3A_141 = arith.index_cast %add3A_103 : i32 to index
        %swap3A_142 = tpu.vector_load %arg11[%swap3A_140, %swap3A_141] {strides = array<i32>} : memref<32x288xf32, #tpu.memory_space<vmem>>, vector<16xf32>,
        tpu.vector_store %arg11[%swap3A_140, %swap3A_141], %select_n3A_138 {strides = array<i32>} : memref<32x288xf32, #tpu.memory_space<vmem>>, vector<16xf32>,
        %le3A_143 = arith.cmpf ole, %get3A_105, %broadcast_in_dim3A_15 : vector<16xf32>
        %le3A_144 = arith.cmpf ole, %get3A_109, %broadcast_in_dim3A_15 : vector<16xf32>
        %gt3A_145 = arith.constant dense<true> : vector<16xi1>
        %gt3A_146 = arith.xori %le3A_144, %gt3A_145 : vector<16xi1>
        %gt3A_147 = arith.andi %le3A_143, %gt3A_146 : vector<16xi1>
        %select_n3A_148 = arith.select %gt3A_147, %broadcast_in_dim3A_56, %broadcast_in_dim3A_58 : vector<16xi1>, vector<16xf32>
        %swap3A_149 = arith.constant 4 : i32
        %swap3A_150 = arith.index_cast %swap3A_149 : i32 to index
        %swap3A_151 = arith.index_cast %add3A_103 : i32 to index
        %swap3A_152 = tpu.vector_load %arg11[%swap3A_150, %swap3A_151] {strides = array<i32>} : memref<32x288xf32, #tpu.memory_space<vmem>>, vector<16xf32>,
        tpu.vector_store %arg11[%swap3A_150, %swap3A_151], %select_n3A_148 {strides = array<i32>} : memref<32x288xf32, #tpu.memory_space<vmem>>, vector<16xf32>,
        %gt3A_153 = arith.constant dense<true> : vector<16xi1>
        %gt3A_154 = arith.xori %le3A_143, %gt3A_153 : vector<16xi1>
        %gt3A_155 = arith.andi %le3A_144, %gt3A_154 : vector<16xi1>
        %select_n3A_156 = arith.select %gt3A_155, %broadcast_in_dim3A_56, %broadcast_in_dim3A_58 : vector<16xi1>, vector<16xf32>
        %swap3A_157 = arith.constant 5 : i32
        %swap3A_158 = arith.index_cast %swap3A_157 : i32 to index
        %swap3A_159 = arith.index_cast %add3A_103 : i32 to index
        %swap3A_160 = tpu.vector_load %arg11[%swap3A_158, %swap3A_159] {strides = array<i32>} : memref<32x288xf32, #tpu.memory_space<vmem>>, vector<16xf32>,
        tpu.vector_store %arg11[%swap3A_158, %swap3A_159], %select_n3A_156 {strides = array<i32>} : memref<32x288xf32, #tpu.memory_space<vmem>>, vector<16xf32>,
        %le3A_161 = arith.cmpf ole, %get3A_105, %broadcast_in_dim3A_18 : vector<16xf32>
        %le3A_162 = arith.cmpf ole, %get3A_109, %broadcast_in_dim3A_18 : vector<16xf32>
        %gt3A_163 = arith.constant dense<true> : vector<16xi1>
        %gt3A_164 = arith.xori %le3A_162, %gt3A_163 : vector<16xi1>
        %gt3A_165 = arith.andi %le3A_161, %gt3A_164 : vector<16xi1>
        %select_n3A_166 = arith.select %gt3A_165, %broadcast_in_dim3A_56, %broadcast_in_dim3A_58 : vector<16xi1>, vector<16xf32>
        %swap3A_167 = arith.constant 6 : i32
        %swap3A_168 = arith.index_cast %swap3A_167 : i32 to index
        %swap3A_169 = arith.index_cast %add3A_103 : i32 to index
        %swap3A_170 = tpu.vector_load %arg11[%swap3A_168, %swap3A_169] {strides = array<i32>} : memref<32x288xf32, #tpu.memory_space<vmem>>, vector<16xf32>,
        tpu.vector_store %arg11[%swap3A_168, %swap3A_169], %select_n3A_166 {strides = array<i32>} : memref<32x288xf32, #tpu.memory_space<vmem>>, vector<16xf32>,
        %gt3A_171 = arith.constant dense<true> : vector<16xi1>
        %gt3A_172 = arith.xori %le3A_161, %gt3A_171 : vector<16xi1>
        %gt3A_173 = arith.andi %le3A_162, %gt3A_172 : vector<16xi1>
        %select_n3A_174 = arith.select %gt3A_173, %broadcast_in_dim3A_56, %broadcast_in_dim3A_58 : vector<16xi1>, vector<16xf32>
        %swap3A_175 = arith.constant 7 : i32
        %swap3A_176 = arith.index_cast %swap3A_175 : i32 to index
        %swap3A_177 = arith.index_cast %add3A_103 : i32 to index
        %swap3A_178 = tpu.vector_load %arg11[%swap3A_176, %swap3A_177] {strides = array<i32>} : memref<32x288xf32, #tpu.memory_space<vmem>>, vector<16xf32>,
        tpu.vector_store %arg11[%swap3A_176, %swap3A_177], %select_n3A_174 {strides = array<i32>} : memref<32x288xf32, #tpu.memory_space<vmem>>, vector<16xf32>,
        %le3A_179 = arith.cmpf ole, %get3A_105, %broadcast_in_dim3A_21 : vector<16xf32>
        %le3A_180 = arith.cmpf ole, %get3A_109, %broadcast_in_dim3A_21 : vector<16xf32>
        %gt3A_181 = arith.constant dense<true> : vector<16xi1>
        %gt3A_182 = arith.xori %le3A_180, %gt3A_181 : vector<16xi1>
        %gt3A_183 = arith.andi %le3A_179, %gt3A_182 : vector<16xi1>
        %select_n3A_184 = arith.select %gt3A_183, %broadcast_in_dim3A_56, %broadcast_in_dim3A_58 : vector<16xi1>, vector<16xf32>
        %swap3A_185 = arith.constant 8 : i32
        %swap3A_186 = arith.index_cast %swap3A_185 : i32 to index
        %swap3A_187 = arith.index_cast %add3A_103 : i32 to index
        %swap3A_188 = tpu.vector_load %arg11[%swap3A_186, %swap3A_187] {strides = array<i32>} : memref<32x288xf32, #tpu.memory_space<vmem>>, vector<16xf32>,
        tpu.vector_store %arg11[%swap3A_186, %swap3A_187], %select_n3A_184 {strides = array<i32>} : memref<32x288xf32, #tpu.memory_space<vmem>>, vector<16xf32>,
        %gt3A_189 = arith.constant dense<true> : vector<16xi1>
        %gt3A_190 = arith.xori %le3A_179, %gt3A_189 : vector<16xi1>
        %gt3A_191 = arith.andi %le3A_180, %gt3A_190 : vector<16xi1>
        %select_n3A_192 = arith.select %gt3A_191, %broadcast_in_dim3A_56, %broadcast_in_dim3A_58 : vector<16xi1>, vector<16xf32>
        %swap3A_193 = arith.constant 9 : i32
        %swap3A_194 = arith.index_cast %swap3A_193 : i32 to index
        %swap3A_195 = arith.index_cast %add3A_103 : i32 to index
        %swap3A_196 = tpu.vector_load %arg11[%swap3A_194, %swap3A_195] {strides = array<i32>} : memref<32x288xf32, #tpu.memory_space<vmem>>, vector<16xf32>,
        tpu.vector_store %arg11[%swap3A_194, %swap3A_195], %select_n3A_192 {strides = array<i32>} : memref<32x288xf32, #tpu.memory_space<vmem>>, vector<16xf32>,
        %le3A_197 = arith.cmpf ole, %get3A_105, %broadcast_in_dim3A_24 : vector<16xf32>
        %le3A_198 = arith.cmpf ole, %get3A_109, %broadcast_in_dim3A_24 : vector<16xf32>
        %gt3A_199 = arith.constant dense<true> : vector<16xi1>
        %gt3A_200 = arith.xori %le3A_198, %gt3A_199 : vector<16xi1>
        %gt3A_201 = arith.andi %le3A_197, %gt3A_200 : vector<16xi1>
        %select_n3A_202 = arith.select %gt3A_201, %broadcast_in_dim3A_56, %broadcast_in_dim3A_58 : vector<16xi1>, vector<16xf32>
        %swap3A_203 = arith.constant 10 : i32
        %swap3A_204 = arith.index_cast %swap3A_203 : i32 to index
        %swap3A_205 = arith.index_cast %add3A_103 : i32 to index
        %swap3A_206 = tpu.vector_load %arg11[%swap3A_204, %swap3A_205] {strides = array<i32>} : memref<32x288xf32, #tpu.memory_space<vmem>>, vector<16xf32>,
        tpu.vector_store %arg11[%swap3A_204, %swap3A_205], %select_n3A_202 {strides = array<i32>} : memref<32x288xf32, #tpu.memory_space<vmem>>, vector<16xf32>,
        %gt3A_207 = arith.constant dense<true> : vector<16xi1>
        %gt3A_208 = arith.xori %le3A_197, %gt3A_207 : vector<16xi1>
        %gt3A_209 = arith.andi %le3A_198, %gt3A_208 : vector<16xi1>
        %select_n3A_210 = arith.select %gt3A_209, %broadcast_in_dim3A_56, %broadcast_in_dim3A_58 : vector<16xi1>, vector<16xf32>
        %swap3A_211 = arith.constant 11 : i32
        %swap3A_212 = arith.index_cast %swap3A_211 : i32 to index
        %swap3A_213 = arith.index_cast %add3A_103 : i32 to index
        %swap3A_214 = tpu.vector_load %arg11[%swap3A_212, %swap3A_213] {strides = array<i32>} : memref<32x288xf32, #tpu.memory_space<vmem>>, vector<16xf32>,
        tpu.vector_store %arg11[%swap3A_212, %swap3A_213], %select_n3A_210 {strides = array<i32>} : memref<32x288xf32, #tpu.memory_space<vmem>>, vector<16xf32>,
        %le3A_215 = arith.cmpf ole, %get3A_105, %broadcast_in_dim3A_27 : vector<16xf32>
        %le3A_216 = arith.cmpf ole, %get3A_109, %broadcast_in_dim3A_27 : vector<16xf32>
        %gt3A_217 = arith.constant dense<true> : vector<16xi1>
        %gt3A_218 = arith.xori %le3A_216, %gt3A_217 : vector<16xi1>
        %gt3A_219 = arith.andi %le3A_215, %gt3A_218 : vector<16xi1>
        %select_n3A_220 = arith.select %gt3A_219, %broadcast_in_dim3A_56, %broadcast_in_dim3A_58 : vector<16xi1>, vector<16xf32>
        %swap3A_221 = arith.constant 12 : i32
        %swap3A_222 = arith.index_cast %swap3A_221 : i32 to index
        %swap3A_223 = arith.index_cast %add3A_103 : i32 to index
        %swap3A_224 = tpu.vector_load %arg11[%swap3A_222, %swap3A_223] {strides = array<i32>} : memref<32x288xf32, #tpu.memory_space<vmem>>, vector<16xf32>,
        tpu.vector_store %arg11[%swap3A_222, %swap3A_223], %select_n3A_220 {strides = array<i32>} : memref<32x288xf32, #tpu.memory_space<vmem>>, vector<16xf32>,
        %gt3A_225 = arith.constant dense<true> : vector<16xi1>
        %gt3A_226 = arith.xori %le3A_215, %gt3A_225 : vector<16xi1>
        %gt3A_227 = arith.andi %le3A_216, %gt3A_226 : vector<16xi1>
        %select_n3A_228 = arith.select %gt3A_227, %broadcast_in_dim3A_56, %broadcast_in_dim3A_58 : vector<16xi1>, vector<16xf32>
        %swap3A_229 = arith.constant 13 : i32
        %swap3A_230 = arith.index_cast %swap3A_229 : i32 to index
        %swap3A_231 = arith.index_cast %add3A_103 : i32 to index
        %swap3A_232 = tpu.vector_load %arg11[%swap3A_230, %swap3A_231] {strides = array<i32>} : memref<32x288xf32, #tpu.memory_space<vmem>>, vector<16xf32>,
        tpu.vector_store %arg11[%swap3A_230, %swap3A_231], %select_n3A_228 {strides = array<i32>} : memref<32x288xf32, #tpu.memory_space<vmem>>, vector<16xf32>,
        %le3A_233 = arith.cmpf ole, %get3A_105, %broadcast_in_dim3A_30 : vector<16xf32>
        %le3A_234 = arith.cmpf ole, %get3A_109, %broadcast_in_dim3A_30 : vector<16xf32>
        %gt3A_235 = arith.constant dense<true> : vector<16xi1>
        %gt3A_236 = arith.xori %le3A_234, %gt3A_235 : vector<16xi1>
        %gt3A_237 = arith.andi %le3A_233, %gt3A_236 : vector<16xi1>
        %select_n3A_238 = arith.select %gt3A_237, %broadcast_in_dim3A_56, %broadcast_in_dim3A_58 : vector<16xi1>, vector<16xf32>
        %swap3A_239 = arith.constant 14 : i32
        %swap3A_240 = arith.index_cast %swap3A_239 : i32 to index
        %swap3A_241 = arith.index_cast %add3A_103 : i32 to index
        %swap3A_242 = tpu.vector_load %arg11[%swap3A_240, %swap3A_241] {strides = array<i32>} : memref<32x288xf32, #tpu.memory_space<vmem>>, vector<16xf32>,
        tpu.vector_store %arg11[%swap3A_240, %swap3A_241], %select_n3A_238 {strides = array<i32>} : memref<32x288xf32, #tpu.memory_space<vmem>>, vector<16xf32>,
        %gt3A_243 = arith.constant dense<true> : vector<16xi1>
        %gt3A_244 = arith.xori %le3A_233, %gt3A_243 : vector<16xi1>
        %gt3A_245 = arith.andi %le3A_234, %gt3A_244 : vector<16xi1>
        %select_n3A_246 = arith.select %gt3A_245, %broadcast_in_dim3A_56, %broadcast_in_dim3A_58 : vector<16xi1>, vector<16xf32>
        %swap3A_247 = arith.constant 15 : i32
        %swap3A_248 = arith.index_cast %swap3A_247 : i32 to index
        %swap3A_249 = arith.index_cast %add3A_103 : i32 to index
        %swap3A_250 = tpu.vector_load %arg11[%swap3A_248, %swap3A_249] {strides = array<i32>} : memref<32x288xf32, #tpu.memory_space<vmem>>, vector<16xf32>,
        tpu.vector_store %arg11[%swap3A_248, %swap3A_249], %select_n3A_246 {strides = array<i32>} : memref<32x288xf32, #tpu.memory_space<vmem>>, vector<16xf32>,
        %le3A_251 = arith.cmpf ole, %get3A_105, %broadcast_in_dim3A_33 : vector<16xf32>
        %le3A_252 = arith.cmpf ole, %get3A_109, %broadcast_in_dim3A_33 : vector<16xf32>
        %gt3A_253 = arith.constant dense<true> : vector<16xi1>
        %gt3A_254 = arith.xori %le3A_252, %gt3A_253 : vector<16xi1>
        %gt3A_255 = arith.andi %le3A_251, %gt3A_254 : vector<16xi1>
        %select_n3A_256 = arith.select %gt3A_255, %broadcast_in_dim3A_56, %broadcast_in_dim3A_58 : vector<16xi1>, vector<16xf32>
        %swap3A_257 = arith.constant 16 : i32
        %swap3A_258 = arith.index_cast %swap3A_257 : i32 to index
        %swap3A_259 = arith.index_cast %add3A_103 : i32 to index
        %swap3A_260 = tpu.vector_load %arg11[%swap3A_258, %swap3A_259] {strides = array<i32>} : memref<32x288xf32, #tpu.memory_space<vmem>>, vector<16xf32>,
        tpu.vector_store %arg11[%swap3A_258, %swap3A_259], %select_n3A_256 {strides = array<i32>} : memref<32x288xf32, #tpu.memory_space<vmem>>, vector<16xf32>,
        %gt3A_261 = arith.constant dense<true> : vector<16xi1>
        %gt3A_262 = arith.xori %le3A_251, %gt3A_261 : vector<16xi1>
        %gt3A_263 = arith.andi %le3A_252, %gt3A_262 : vector<16xi1>
        %select_n3A_264 = arith.select %gt3A_263, %broadcast_in_dim3A_56, %broadcast_in_dim3A_58 : vector<16xi1>, vector<16xf32>
        %swap3A_265 = arith.constant 17 : i32
        %swap3A_266 = arith.index_cast %swap3A_265 : i32 to index
        %swap3A_267 = arith.index_cast %add3A_103 : i32 to index
        %swap3A_268 = tpu.vector_load %arg11[%swap3A_266, %swap3A_267] {strides = array<i32>} : memref<32x288xf32, #tpu.memory_space<vmem>>, vector<16xf32>,
        tpu.vector_store %arg11[%swap3A_266, %swap3A_267], %select_n3A_264 {strides = array<i32>} : memref<32x288xf32, #tpu.memory_space<vmem>>, vector<16xf32>,
        %le3A_269 = arith.cmpf ole, %get3A_105, %broadcast_in_dim3A_36 : vector<16xf32>
        %le3A_270 = arith.cmpf ole, %get3A_109, %broadcast_in_dim3A_36 : vector<16xf32>
        %gt3A_271 = arith.constant dense<true> : vector<16xi1>
        %gt3A_272 = arith.xori %le3A_270, %gt3A_271 : vector<16xi1>
        %gt3A_273 = arith.andi %le3A_269, %gt3A_272 : vector<16xi1>
        %select_n3A_274 = arith.select %gt3A_273, %broadcast_in_dim3A_56, %broadcast_in_dim3A_58 : vector<16xi1>, vector<16xf32>
        %swap3A_275 = arith.constant 18 : i32
        %swap3A_276 = arith.index_cast %swap3A_275 : i32 to index
        %swap3A_277 = arith.index_cast %add3A_103 : i32 to index
        %swap3A_278 = tpu.vector_load %arg11[%swap3A_276, %swap3A_277] {strides = array<i32>} : memref<32x288xf32, #tpu.memory_space<vmem>>, vector<16xf32>,
        tpu.vector_store %arg11[%swap3A_276, %swap3A_277], %select_n3A_274 {strides = array<i32>} : memref<32x288xf32, #tpu.memory_space<vmem>>, vector<16xf32>,
        %gt3A_279 = arith.constant dense<true> : vector<16xi1>
        %gt3A_280 = arith.xori %le3A_269, %gt3A_279 : vector<16xi1>
        %gt3A_281 = arith.andi %le3A_270, %gt3A_280 : vector<16xi1>
        %select_n3A_282 = arith.select %gt3A_281, %broadcast_in_dim3A_56, %broadcast_in_dim3A_58 : vector<16xi1>, vector<16xf32>
        %swap3A_283 = arith.constant 19 : i32
        %swap3A_284 = arith.index_cast %swap3A_283 : i32 to index
        %swap3A_285 = arith.index_cast %add3A_103 : i32 to index
        %swap3A_286 = tpu.vector_load %arg11[%swap3A_284, %swap3A_285] {strides = array<i32>} : memref<32x288xf32, #tpu.memory_space<vmem>>, vector<16xf32>,
        tpu.vector_store %arg11[%swap3A_284, %swap3A_285], %select_n3A_282 {strides = array<i32>} : memref<32x288xf32, #tpu.memory_space<vmem>>, vector<16xf32>,
        %le3A_287 = arith.cmpf ole, %get3A_105, %broadcast_in_dim3A_39 : vector<16xf32>
        %le3A_288 = arith.cmpf ole, %get3A_109, %broadcast_in_dim3A_39 : vector<16xf32>
        %gt3A_289 = arith.constant dense<true> : vector<16xi1>
        %gt3A_290 = arith.xori %le3A_288, %gt3A_289 : vector<16xi1>
        %gt3A_291 = arith.andi %le3A_287, %gt3A_290 : vector<16xi1>
        %select_n3A_292 = arith.select %gt3A_291, %broadcast_in_dim3A_56, %broadcast_in_dim3A_58 : vector<16xi1>, vector<16xf32>
        %swap3A_293 = arith.constant 20 : i32
        %swap3A_294 = arith.index_cast %swap3A_293 : i32 to index
        %swap3A_295 = arith.index_cast %add3A_103 : i32 to index
        %swap3A_296 = tpu.vector_load %arg11[%swap3A_294, %swap3A_295] {strides = array<i32>} : memref<32x288xf32, #tpu.memory_space<vmem>>, vector<16xf32>,
        tpu.vector_store %arg11[%swap3A_294, %swap3A_295], %select_n3A_292 {strides = array<i32>} : memref<32x288xf32, #tpu.memory_space<vmem>>, vector<16xf32>,
        %gt3A_297 = arith.constant dense<true> : vector<16xi1>
        %gt3A_298 = arith.xori %le3A_287, %gt3A_297 : vector<16xi1>
        %gt3A_299 = arith.andi %le3A_288, %gt3A_298 : vector<16xi1>
        %select_n3A_300 = arith.select %gt3A_299, %broadcast_in_dim3A_56, %broadcast_in_dim3A_58 : vector<16xi1>, vector<16xf32>
        %swap3A_301 = arith.constant 21 : i32
        %swap3A_302 = arith.index_cast %swap3A_301 : i32 to index
        %swap3A_303 = arith.index_cast %add3A_103 : i32 to index
        %swap3A_304 = tpu.vector_load %arg11[%swap3A_302, %swap3A_303] {strides = array<i32>} : memref<32x288xf32, #tpu.memory_space<vmem>>, vector<16xf32>,
        tpu.vector_store %arg11[%swap3A_302, %swap3A_303], %select_n3A_300 {strides = array<i32>} : memref<32x288xf32, #tpu.memory_space<vmem>>, vector<16xf32>,
        %le3A_305 = arith.cmpf ole, %get3A_105, %broadcast_in_dim3A_42 : vector<16xf32>
        %le3A_306 = arith.cmpf ole, %get3A_109, %broadcast_in_dim3A_42 : vector<16xf32>
        %gt3A_307 = arith.constant dense<true> : vector<16xi1>
        %gt3A_308 = arith.xori %le3A_306, %gt3A_307 : vector<16xi1>
        %gt3A_309 = arith.andi %le3A_305, %gt3A_308 : vector<16xi1>
        %select_n3A_310 = arith.select %gt3A_309, %broadcast_in_dim3A_56, %broadcast_in_dim3A_58 : vector<16xi1>, vector<16xf32>
        %swap3A_311 = arith.constant 22 : i32
        %swap3A_312 = arith.index_cast %swap3A_311 : i32 to index
        %swap3A_313 = arith.index_cast %add3A_103 : i32 to index
        %swap3A_314 = tpu.vector_load %arg11[%swap3A_312, %swap3A_313] {strides = array<i32>} : memref<32x288xf32, #tpu.memory_space<vmem>>, vector<16xf32>,
        tpu.vector_store %arg11[%swap3A_312, %swap3A_313], %select_n3A_310 {strides = array<i32>} : memref<32x288xf32, #tpu.memory_space<vmem>>, vector<16xf32>,
        %gt3A_315 = arith.constant dense<true> : vector<16xi1>
        %gt3A_316 = arith.xori %le3A_305, %gt3A_315 : vector<16xi1>
        %gt3A_317 = arith.andi %le3A_306, %gt3A_316 : vector<16xi1>
        %select_n3A_318 = arith.select %gt3A_317, %broadcast_in_dim3A_56, %broadcast_in_dim3A_58 : vector<16xi1>, vector<16xf32>
        %swap3A_319 = arith.constant 23 : i32
        %swap3A_320 = arith.index_cast %swap3A_319 : i32 to index
        %swap3A_321 = arith.index_cast %add3A_103 : i32 to index
        %swap3A_322 = tpu.vector_load %arg11[%swap3A_320, %swap3A_321] {strides = array<i32>} : memref<32x288xf32, #tpu.memory_space<vmem>>, vector<16xf32>,
        tpu.vector_store %arg11[%swap3A_320, %swap3A_321], %select_n3A_318 {strides = array<i32>} : memref<32x288xf32, #tpu.memory_space<vmem>>, vector<16xf32>,
        %le3A_323 = arith.cmpf ole, %get3A_105, %broadcast_in_dim3A_45 : vector<16xf32>
        %le3A_324 = arith.cmpf ole, %get3A_109, %broadcast_in_dim3A_45 : vector<16xf32>
        %gt3A_325 = arith.constant dense<true> : vector<16xi1>
        %gt3A_326 = arith.xori %le3A_324, %gt3A_325 : vector<16xi1>
        %gt3A_327 = arith.andi %le3A_323, %gt3A_326 : vector<16xi1>
        %select_n3A_328 = arith.select %gt3A_327, %broadcast_in_dim3A_56, %broadcast_in_dim3A_58 : vector<16xi1>, vector<16xf32>
        %swap3A_329 = arith.constant 24 : i32
        %swap3A_330 = arith.index_cast %swap3A_329 : i32 to index
        %swap3A_331 = arith.index_cast %add3A_103 : i32 to index
        %swap3A_332 = tpu.vector_load %arg11[%swap3A_330, %swap3A_331] {strides = array<i32>} : memref<32x288xf32, #tpu.memory_space<vmem>>, vector<16xf32>,
        tpu.vector_store %arg11[%swap3A_330, %swap3A_331], %select_n3A_328 {strides = array<i32>} : memref<32x288xf32, #tpu.memory_space<vmem>>, vector<16xf32>,
        %gt3A_333 = arith.constant dense<true> : vector<16xi1>
        %gt3A_334 = arith.xori %le3A_323, %gt3A_333 : vector<16xi1>
        %gt3A_335 = arith.andi %le3A_324, %gt3A_334 : vector<16xi1>
        %select_n3A_336 = arith.select %gt3A_335, %broadcast_in_dim3A_56, %broadcast_in_dim3A_58 : vector<16xi1>, vector<16xf32>
        %swap3A_337 = arith.constant 25 : i32
        %swap3A_338 = arith.index_cast %swap3A_337 : i32 to index
        %swap3A_339 = arith.index_cast %add3A_103 : i32 to index
        %swap3A_340 = tpu.vector_load %arg11[%swap3A_338, %swap3A_339] {strides = array<i32>} : memref<32x288xf32, #tpu.memory_space<vmem>>, vector<16xf32>,
        tpu.vector_store %arg11[%swap3A_338, %swap3A_339], %select_n3A_336 {strides = array<i32>} : memref<32x288xf32, #tpu.memory_space<vmem>>, vector<16xf32>,
        %le3A_341 = arith.cmpf ole, %get3A_105, %broadcast_in_dim3A_48 : vector<16xf32>
        %le3A_342 = arith.cmpf ole, %get3A_109, %broadcast_in_dim3A_48 : vector<16xf32>
        %gt3A_343 = arith.constant dense<true> : vector<16xi1>
        %gt3A_344 = arith.xori %le3A_342, %gt3A_343 : vector<16xi1>
        %gt3A_345 = arith.andi %le3A_341, %gt3A_344 : vector<16xi1>
        %select_n3A_346 = arith.select %gt3A_345, %broadcast_in_dim3A_56, %broadcast_in_dim3A_58 : vector<16xi1>, vector<16xf32>
        %swap3A_347 = arith.constant 26 : i32
        %swap3A_348 = arith.index_cast %swap3A_347 : i32 to index
        %swap3A_349 = arith.index_cast %add3A_103 : i32 to index
        %swap3A_350 = tpu.vector_load %arg11[%swap3A_348, %swap3A_349] {strides = array<i32>} : memref<32x288xf32, #tpu.memory_space<vmem>>, vector<16xf32>,
        tpu.vector_store %arg11[%swap3A_348, %swap3A_349], %select_n3A_346 {strides = array<i32>} : memref<32x288xf32, #tpu.memory_space<vmem>>, vector<16xf32>,
        %gt3A_351 = arith.constant dense<true> : vector<16xi1>
        %gt3A_352 = arith.xori %le3A_341, %gt3A_351 : vector<16xi1>
        %gt3A_353 = arith.andi %le3A_342, %gt3A_352 : vector<16xi1>
        %select_n3A_354 = arith.select %gt3A_353, %broadcast_in_dim3A_56, %broadcast_in_dim3A_58 : vector<16xi1>, vector<16xf32>
        %swap3A_355 = arith.constant 27 : i32
        %swap3A_356 = arith.index_cast %swap3A_355 : i32 to index
        %swap3A_357 = arith.index_cast %add3A_103 : i32 to index
        %swap3A_358 = tpu.vector_load %arg11[%swap3A_356, %swap3A_357] {strides = array<i32>} : memref<32x288xf32, #tpu.memory_space<vmem>>, vector<16xf32>,
        tpu.vector_store %arg11[%swap3A_356, %swap3A_357], %select_n3A_354 {strides = array<i32>} : memref<32x288xf32, #tpu.memory_space<vmem>>, vector<16xf32>,
        %le3A_359 = arith.cmpf ole, %get3A_105, %broadcast_in_dim3A_51 : vector<16xf32>
        %le3A_360 = arith.cmpf ole, %get3A_109, %broadcast_in_dim3A_51 : vector<16xf32>
        %gt3A_361 = arith.constant dense<true> : vector<16xi1>
        %gt3A_362 = arith.xori %le3A_360, %gt3A_361 : vector<16xi1>
        %gt3A_363 = arith.andi %le3A_359, %gt3A_362 : vector<16xi1>
        %select_n3A_364 = arith.select %gt3A_363, %broadcast_in_dim3A_56, %broadcast_in_dim3A_58 : vector<16xi1>, vector<16xf32>
        %swap3A_365 = arith.constant 28 : i32
        %swap3A_366 = arith.index_cast %swap3A_365 : i32 to index
        %swap3A_367 = arith.index_cast %add3A_103 : i32 to index
        %swap3A_368 = tpu.vector_load %arg11[%swap3A_366, %swap3A_367] {strides = array<i32>} : memref<32x288xf32, #tpu.memory_space<vmem>>, vector<16xf32>,
        tpu.vector_store %arg11[%swap3A_366, %swap3A_367], %select_n3A_364 {strides = array<i32>} : memref<32x288xf32, #tpu.memory_space<vmem>>, vector<16xf32>,
        %gt3A_369 = arith.constant dense<true> : vector<16xi1>
        %gt3A_370 = arith.xori %le3A_359, %gt3A_369 : vector<16xi1>
        %gt3A_371 = arith.andi %le3A_360, %gt3A_370 : vector<16xi1>
        %select_n3A_372 = arith.select %gt3A_371, %broadcast_in_dim3A_56, %broadcast_in_dim3A_58 : vector<16xi1>, vector<16xf32>
        %swap3A_373 = arith.constant 29 : i32
        %swap3A_374 = arith.index_cast %swap3A_373 : i32 to index
        %swap3A_375 = arith.index_cast %add3A_103 : i32 to index
        %swap3A_376 = tpu.vector_load %arg11[%swap3A_374, %swap3A_375] {strides = array<i32>} : memref<32x288xf32, #tpu.memory_space<vmem>>, vector<16xf32>,
        tpu.vector_store %arg11[%swap3A_374, %swap3A_375], %select_n3A_372 {strides = array<i32>} : memref<32x288xf32, #tpu.memory_space<vmem>>, vector<16xf32>,
        %le3A_377 = arith.cmpf ole, %get3A_105, %broadcast_in_dim3A_54 : vector<16xf32>
        %le3A_378 = arith.cmpf ole, %get3A_109, %broadcast_in_dim3A_54 : vector<16xf32>
        %gt3A_379 = arith.constant dense<true> : vector<16xi1>
        %gt3A_380 = arith.xori %le3A_378, %gt3A_379 : vector<16xi1>
        %gt3A_381 = arith.andi %le3A_377, %gt3A_380 : vector<16xi1>
        %select_n3A_382 = arith.select %gt3A_381, %broadcast_in_dim3A_56, %broadcast_in_dim3A_58 : vector<16xi1>, vector<16xf32>
        %swap3A_383 = arith.constant 30 : i32
        %swap3A_384 = arith.index_cast %swap3A_383 : i32 to index
        %swap3A_385 = arith.index_cast %add3A_103 : i32 to index
        %swap3A_386 = tpu.vector_load %arg11[%swap3A_384, %swap3A_385] {strides = array<i32>} : memref<32x288xf32, #tpu.memory_space<vmem>>, vector<16xf32>,
        tpu.vector_store %arg11[%swap3A_384, %swap3A_385], %select_n3A_382 {strides = array<i32>} : memref<32x288xf32, #tpu.memory_space<vmem>>, vector<16xf32>,
        %gt3A_387 = arith.constant dense<true> : vector<16xi1>
        %gt3A_388 = arith.xori %le3A_377, %gt3A_387 : vector<16xi1>
        %gt3A_389 = arith.andi %le3A_378, %gt3A_388 : vector<16xi1>
        %select_n3A_390 = arith.select %gt3A_389, %broadcast_in_dim3A_56, %broadcast_in_dim3A_58 : vector<16xi1>, vector<16xf32>
        %swap3A_391 = arith.constant 31 : i32
        %swap3A_392 = arith.index_cast %swap3A_391 : i32 to index
        %swap3A_393 = arith.index_cast %add3A_103 : i32 to index
        %swap3A_394 = tpu.vector_load %arg11[%swap3A_392, %swap3A_393] {strides = array<i32>} : memref<32x288xf32, #tpu.memory_space<vmem>>, vector<16xf32>,
        tpu.vector_store %arg11[%swap3A_392, %swap3A_393], %select_n3A_390 {strides = array<i32>} : memref<32x288xf32, #tpu.memory_space<vmem>>, vector<16xf32>,
        %add3A_395 = arith.constant 16 : i32
        %add3A_396 = arith.addi %mul3A_101, %add3A_395 : i32
        %get3A_397 = arith.index_cast %add3A_396 : i32 to index
        %get3A_398 = tpu.vector_load %arg10[%get3A_397] {strides = array<i32>} : memref<304xf32, #tpu.memory_space<vmem>>, vector<16xf32>,
        %add3A_399 = arith.constant 1 : i32
        %add3A_400 = arith.addi %add3A_396, %add3A_399 : i32
        %get3A_401 = arith.index_cast %add3A_400 : i32 to index
        %get3A_402 = tpu.vector_load %arg10[%get3A_401] {strides = array<i32>} : memref<304xf32, #tpu.memory_space<vmem>>, vector<16xf32>,
        %le3A_403 = arith.cmpf ole, %get3A_398, %broadcast_in_dim3A : vector<16xf32>
        %le3A_404 = arith.cmpf ole, %get3A_402, %broadcast_in_dim3A : vector<16xf32>
        %gt3A_405 = arith.constant dense<true> : vector<16xi1>
        %gt3A_406 = arith.xori %le3A_404, %gt3A_405 : vector<16xi1>
        %gt3A_407 = arith.andi %le3A_403, %gt3A_406 : vector<16xi1>
        %select_n3A_408 = arith.select %gt3A_407, %broadcast_in_dim3A_56, %broadcast_in_dim3A_58 : vector<16xi1>, vector<16xf32>
        %swap3A_409 = arith.constant 0 : i32
        %swap3A_410 = arith.index_cast %swap3A_409 : i32 to index
        %swap3A_411 = arith.index_cast %add3A_396 : i32 to index
        %swap3A_412 = tpu.vector_load %arg11[%swap3A_410, %swap3A_411] {strides = array<i32>} : memref<32x288xf32, #tpu.memory_space<vmem>>, vector<16xf32>,
        tpu.vector_store %arg11[%swap3A_410, %swap3A_411], %select_n3A_408 {strides = array<i32>} : memref<32x288xf32, #tpu.memory_space<vmem>>, vector<16xf32>,
        %gt3A_413 = arith.constant dense<true> : vector<16xi1>
        %gt3A_414 = arith.xori %le3A_403, %gt3A_413 : vector<16xi1>
        %gt3A_415 = arith.andi %le3A_404, %gt3A_414 : vector<16xi1>
        %select_n3A_416 = arith.select %gt3A_415, %broadcast_in_dim3A_56, %broadcast_in_dim3A_58 : vector<16xi1>, vector<16xf32>
        %swap3A_417 = arith.constant 1 : i32
        %swap3A_418 = arith.index_cast %swap3A_417 : i32 to index
        %swap3A_419 = arith.index_cast %add3A_396 : i32 to index
        %swap3A_420 = tpu.vector_load %arg11[%swap3A_418, %swap3A_419] {strides = array<i32>} : memref<32x288xf32, #tpu.memory_space<vmem>>, vector<16xf32>,
        tpu.vector_store %arg11[%swap3A_418, %swap3A_419], %select_n3A_416 {strides = array<i32>} : memref<32x288xf32, #tpu.memory_space<vmem>>, vector<16xf32>,
        %le3A_421 = arith.cmpf ole, %get3A_398, %broadcast_in_dim3A_12 : vector<16xf32>
        %le3A_422 = arith.cmpf ole, %get3A_402, %broadcast_in_dim3A_12 : vector<16xf32>
        %gt3A_423 = arith.constant dense<true> : vector<16xi1>
        %gt3A_424 = arith.xori %le3A_422, %gt3A_423 : vector<16xi1>
        %gt3A_425 = arith.andi %le3A_421, %gt3A_424 : vector<16xi1>
        %select_n3A_426 = arith.select %gt3A_425, %broadcast_in_dim3A_56, %broadcast_in_dim3A_58 : vector<16xi1>, vector<16xf32>
        %swap3A_427 = arith.constant 2 : i32
        %swap3A_428 = arith.index_cast %swap3A_427 : i32 to index
        %swap3A_429 = arith.index_cast %add3A_396 : i32 to index
        %swap3A_430 = tpu.vector_load %arg11[%swap3A_428, %swap3A_429] {strides = array<i32>} : memref<32x288xf32, #tpu.memory_space<vmem>>, vector<16xf32>,
        tpu.vector_store %arg11[%swap3A_428, %swap3A_429], %select_n3A_426 {strides = array<i32>} : memref<32x288xf32, #tpu.memory_space<vmem>>, vector<16xf32>,
        %gt3A_431 = arith.constant dense<true> : vector<16xi1>
        %gt3A_432 = arith.xori %le3A_421, %gt3A_431 : vector<16xi1>
        %gt3A_433 = arith.andi %le3A_422, %gt3A_432 : vector<16xi1>
        %select_n3A_434 = arith.select %gt3A_433, %broadcast_in_dim3A_56, %broadcast_in_dim3A_58 : vector<16xi1>, vector<16xf32>
        %swap3A_435 = arith.constant 3 : i32
        %swap3A_436 = arith.index_cast %swap3A_435 : i32 to index
        %swap3A_437 = arith.index_cast %add3A_396 : i32 to index
        %swap3A_438 = tpu.vector_load %arg11[%swap3A_436, %swap3A_437] {strides = array<i32>} : memref<32x288xf32, #tpu.memory_space<vmem>>, vector<16xf32>,
        tpu.vector_store %arg11[%swap3A_436, %swap3A_437], %select_n3A_434 {strides = array<i32>} : memref<32x288xf32, #tpu.memory_space<vmem>>, vector<16xf32>,
        %le3A_439 = arith.cmpf ole, %get3A_398, %broadcast_in_dim3A_15 : vector<16xf32>
        %le3A_440 = arith.cmpf ole, %get3A_402, %broadcast_in_dim3A_15 : vector<16xf32>
        %gt3A_441 = arith.constant dense<true> : vector<16xi1>
        %gt3A_442 = arith.xori %le3A_440, %gt3A_441 : vector<16xi1>
        %gt3A_443 = arith.andi %le3A_439, %gt3A_442 : vector<16xi1>
        %select_n3A_444 = arith.select %gt3A_443, %broadcast_in_dim3A_56, %broadcast_in_dim3A_58 : vector<16xi1>, vector<16xf32>
        %swap3A_445 = arith.constant 4 : i32
        %swap3A_446 = arith.index_cast %swap3A_445 : i32 to index
        %swap3A_447 = arith.index_cast %add3A_396 : i32 to index
        %swap3A_448 = tpu.vector_load %arg11[%swap3A_446, %swap3A_447] {strides = array<i32>} : memref<32x288xf32, #tpu.memory_space<vmem>>, vector<16xf32>,
        tpu.vector_store %arg11[%swap3A_446, %swap3A_447], %select_n3A_444 {strides = array<i32>} : memref<32x288xf32, #tpu.memory_space<vmem>>, vector<16xf32>,
        %gt3A_449 = arith.constant dense<true> : vector<16xi1>
        %gt3A_450 = arith.xori %le3A_439, %gt3A_449 : vector<16xi1>
        %gt3A_451 = arith.andi %le3A_440, %gt3A_450 : vector<16xi1>
        %select_n3A_452 = arith.select %gt3A_451, %broadcast_in_dim3A_56, %broadcast_in_dim3A_58 : vector<16xi1>, vector<16xf32>
        %swap3A_453 = arith.constant 5 : i32
        %swap3A_454 = arith.index_cast %swap3A_453 : i32 to index
        %swap3A_455 = arith.index_cast %add3A_396 : i32 to index
        %swap3A_456 = tpu.vector_load %arg11[%swap3A_454, %swap3A_455] {strides = array<i32>} : memref<32x288xf32, #tpu.memory_space<vmem>>, vector<16xf32>,
        tpu.vector_store %arg11[%swap3A_454, %swap3A_455], %select_n3A_452 {strides = array<i32>} : memref<32x288xf32, #tpu.memory_space<vmem>>, vector<16xf32>,
        %le3A_457 = arith.cmpf ole, %get3A_398, %broadcast_in_dim3A_18 : vector<16xf32>
        %le3A_458 = arith.cmpf ole, %get3A_402, %broadcast_in_dim3A_18 : vector<16xf32>
        %gt3A_459 = arith.constant dense<true> : vector<16xi1>
        %gt3A_460 = arith.xori %le3A_458, %gt3A_459 : vector<16xi1>
        %gt3A_461 = arith.andi %le3A_457, %gt3A_460 : vector<16xi1>
        %select_n3A_462 = arith.select %gt3A_461, %broadcast_in_dim3A_56, %broadcast_in_dim3A_58 : vector<16xi1>, vector<16xf32>
        %swap3A_463 = arith.constant 6 : i32
        %swap3A_464 = arith.index_cast %swap3A_463 : i32 to index
        %swap3A_465 = arith.index_cast %add3A_396 : i32 to index
        %swap3A_466 = tpu.vector_load %arg11[%swap3A_464, %swap3A_465] {strides = array<i32>} : memref<32x288xf32, #tpu.memory_space<vmem>>, vector<16xf32>,
        tpu.vector_store %arg11[%swap3A_464, %swap3A_465], %select_n3A_462 {strides = array<i32>} : memref<32x288xf32, #tpu.memory_space<vmem>>, vector<16xf32>,
        %gt3A_467 = arith.constant dense<true> : vector<16xi1>
        %gt3A_468 = arith.xori %le3A_457, %gt3A_467 : vector<16xi1>
        %gt3A_469 = arith.andi %le3A_458, %gt3A_468 : vector<16xi1>
        %select_n3A_470 = arith.select %gt3A_469, %broadcast_in_dim3A_56, %broadcast_in_dim3A_58 : vector<16xi1>, vector<16xf32>
        %swap3A_471 = arith.constant 7 : i32
        %swap3A_472 = arith.index_cast %swap3A_471 : i32 to index
        %swap3A_473 = arith.index_cast %add3A_396 : i32 to index
        %swap3A_474 = tpu.vector_load %arg11[%swap3A_472, %swap3A_473] {strides = array<i32>} : memref<32x288xf32, #tpu.memory_space<vmem>>, vector<16xf32>,
        tpu.vector_store %arg11[%swap3A_472, %swap3A_473], %select_n3A_470 {strides = array<i32>} : memref<32x288xf32, #tpu.memory_space<vmem>>, vector<16xf32>,
        %le3A_475 = arith.cmpf ole, %get3A_398, %broadcast_in_dim3A_21 : vector<16xf32>
        %le3A_476 = arith.cmpf ole, %get3A_402, %broadcast_in_dim3A_21 : vector<16xf32>
        %gt3A_477 = arith.constant dense<true> : vector<16xi1>
        %gt3A_478 = arith.xori %le3A_476, %gt3A_477 : vector<16xi1>
        %gt3A_479 = arith.andi %le3A_475, %gt3A_478 : vector<16xi1>
        %select_n3A_480 = arith.select %gt3A_479, %broadcast_in_dim3A_56, %broadcast_in_dim3A_58 : vector<16xi1>, vector<16xf32>
        %swap3A_481 = arith.constant 8 : i32
        %swap3A_482 = arith.index_cast %swap3A_481 : i32 to index
        %swap3A_483 = arith.index_cast %add3A_396 : i32 to index
        %swap3A_484 = tpu.vector_load %arg11[%swap3A_482, %swap3A_483] {strides = array<i32>} : memref<32x288xf32, #tpu.memory_space<vmem>>, vector<16xf32>,
        tpu.vector_store %arg11[%swap3A_482, %swap3A_483], %select_n3A_480 {strides = array<i32>} : memref<32x288xf32, #tpu.memory_space<vmem>>, vector<16xf32>,
        %gt3A_485 = arith.constant dense<true> : vector<16xi1>
        %gt3A_486 = arith.xori %le3A_475, %gt3A_485 : vector<16xi1>
        %gt3A_487 = arith.andi %le3A_476, %gt3A_486 : vector<16xi1>
        %select_n3A_488 = arith.select %gt3A_487, %broadcast_in_dim3A_56, %broadcast_in_dim3A_58 : vector<16xi1>, vector<16xf32>
        %swap3A_489 = arith.constant 9 : i32
        %swap3A_490 = arith.index_cast %swap3A_489 : i32 to index
        %swap3A_491 = arith.index_cast %add3A_396 : i32 to index
        %swap3A_492 = tpu.vector_load %arg11[%swap3A_490, %swap3A_491] {strides = array<i32>} : memref<32x288xf32, #tpu.memory_space<vmem>>, vector<16xf32>,
        tpu.vector_store %arg11[%swap3A_490, %swap3A_491], %select_n3A_488 {strides = array<i32>} : memref<32x288xf32, #tpu.memory_space<vmem>>, vector<16xf32>,
        %le3A_493 = arith.cmpf ole, %get3A_398, %broadcast_in_dim3A_24 : vector<16xf32>
        %le3A_494 = arith.cmpf ole, %get3A_402, %broadcast_in_dim3A_24 : vector<16xf32>
        %gt3A_495 = arith.constant dense<true> : vector<16xi1>
        %gt3A_496 = arith.xori %le3A_494, %gt3A_495 : vector<16xi1>
        %gt3A_497 = arith.andi %le3A_493, %gt3A_496 : vector<16xi1>
        %select_n3A_498 = arith.select %gt3A_497, %broadcast_in_dim3A_56, %broadcast_in_dim3A_58 : vector<16xi1>, vector<16xf32>
        %swap3A_499 = arith.constant 10 : i32
        %swap3A_500 = arith.index_cast %swap3A_499 : i32 to index
        %swap3A_501 = arith.index_cast %add3A_396 : i32 to index
        %swap3A_502 = tpu.vector_load %arg11[%swap3A_500, %swap3A_501] {strides = array<i32>} : memref<32x288xf32, #tpu.memory_space<vmem>>, vector<16xf32>,
        tpu.vector_store %arg11[%swap3A_500, %swap3A_501], %select_n3A_498 {strides = array<i32>} : memref<32x288xf32, #tpu.memory_space<vmem>>, vector<16xf32>,
        %gt3A_503 = arith.constant dense<true> : vector<16xi1>
        %gt3A_504 = arith.xori %le3A_493, %gt3A_503 : vector<16xi1>
        %gt3A_505 = arith.andi %le3A_494, %gt3A_504 : vector<16xi1>
        %select_n3A_506 = arith.select %gt3A_505, %broadcast_in_dim3A_56, %broadcast_in_dim3A_58 : vector<16xi1>, vector<16xf32>
        %swap3A_507 = arith.constant 11 : i32
        %swap3A_508 = arith.index_cast %swap3A_507 : i32 to index
        %swap3A_509 = arith.index_cast %add3A_396 : i32 to index
        %swap3A_510 = tpu.vector_load %arg11[%swap3A_508, %swap3A_509] {strides = array<i32>} : memref<32x288xf32, #tpu.memory_space<vmem>>, vector<16xf32>,
        tpu.vector_store %arg11[%swap3A_508, %swap3A_509], %select_n3A_506 {strides = array<i32>} : memref<32x288xf32, #tpu.memory_space<vmem>>, vector<16xf32>,
        %le3A_511 = arith.cmpf ole, %get3A_398, %broadcast_in_dim3A_27 : vector<16xf32>
        %le3A_512 = arith.cmpf ole, %get3A_402, %broadcast_in_dim3A_27 : vector<16xf32>
        %gt3A_513 = arith.constant dense<true> : vector<16xi1>
        %gt3A_514 = arith.xori %le3A_512, %gt3A_513 : vector<16xi1>
        %gt3A_515 = arith.andi %le3A_511, %gt3A_514 : vector<16xi1>
        %select_n3A_516 = arith.select %gt3A_515, %broadcast_in_dim3A_56, %broadcast_in_dim3A_58 : vector<16xi1>, vector<16xf32>
        %swap3A_517 = arith.constant 12 : i32
        %swap3A_518 = arith.index_cast %swap3A_517 : i32 to index
        %swap3A_519 = arith.index_cast %add3A_396 : i32 to index
        %swap3A_520 = tpu.vector_load %arg11[%swap3A_518, %swap3A_519] {strides = array<i32>} : memref<32x288xf32, #tpu.memory_space<vmem>>, vector<16xf32>,
        tpu.vector_store %arg11[%swap3A_518, %swap3A_519], %select_n3A_516 {strides = array<i32>} : memref<32x288xf32, #tpu.memory_space<vmem>>, vector<16xf32>,
        %gt3A_521 = arith.constant dense<true> : vector<16xi1>
        %gt3A_522 = arith.xori %le3A_511, %gt3A_521 : vector<16xi1>
        %gt3A_523 = arith.andi %le3A_512, %gt3A_522 : vector<16xi1>
        %select_n3A_524 = arith.select %gt3A_523, %broadcast_in_dim3A_56, %broadcast_in_dim3A_58 : vector<16xi1>, vector<16xf32>
        %swap3A_525 = arith.constant 13 : i32
        %swap3A_526 = arith.index_cast %swap3A_525 : i32 to index
        %swap3A_527 = arith.index_cast %add3A_396 : i32 to index
        %swap3A_528 = tpu.vector_load %arg11[%swap3A_526, %swap3A_527] {strides = array<i32>} : memref<32x288xf32, #tpu.memory_space<vmem>>, vector<16xf32>,
        tpu.vector_store %arg11[%swap3A_526, %swap3A_527], %select_n3A_524 {strides = array<i32>} : memref<32x288xf32, #tpu.memory_space<vmem>>, vector<16xf32>,
        %le3A_529 = arith.cmpf ole, %get3A_398, %broadcast_in_dim3A_30 : vector<16xf32>
        %le3A_530 = arith.cmpf ole, %get3A_402, %broadcast_in_dim3A_30 : vector<16xf32>
        %gt3A_531 = arith.constant dense<true> : vector<16xi1>
        %gt3A_532 = arith.xori %le3A_530, %gt3A_531 : vector<16xi1>
        %gt3A_533 = arith.andi %le3A_529, %gt3A_532 : vector<16xi1>
        %select_n3A_534 = arith.select %gt3A_533, %broadcast_in_dim3A_56, %broadcast_in_dim3A_58 : vector<16xi1>, vector<16xf32>
        %swap3A_535 = arith.constant 14 : i32
        %swap3A_536 = arith.index_cast %swap3A_535 : i32 to index
        %swap3A_537 = arith.index_cast %add3A_396 : i32 to index
        %swap3A_538 = tpu.vector_load %arg11[%swap3A_536, %swap3A_537] {strides = array<i32>} : memref<32x288xf32, #tpu.memory_space<vmem>>, vector<16xf32>,
        tpu.vector_store %arg11[%swap3A_536, %swap3A_537], %select_n3A_534 {strides = array<i32>} : memref<32x288xf32, #tpu.memory_space<vmem>>, vector<16xf32>,
        %gt3A_539 = arith.constant dense<true> : vector<16xi1>
        %gt3A_540 = arith.xori %le3A_529, %gt3A_539 : vector<16xi1>
        %gt3A_541 = arith.andi %le3A_530, %gt3A_540 : vector<16xi1>
        %select_n3A_542 = arith.select %gt3A_541, %broadcast_in_dim3A_56, %broadcast_in_dim3A_58 : vector<16xi1>, vector<16xf32>
        %swap3A_543 = arith.constant 15 : i32
        %swap3A_544 = arith.index_cast %swap3A_543 : i32 to index
        %swap3A_545 = arith.index_cast %add3A_396 : i32 to index
        %swap3A_546 = tpu.vector_load %arg11[%swap3A_544, %swap3A_545] {strides = array<i32>} : memref<32x288xf32, #tpu.memory_space<vmem>>, vector<16xf32>,
        tpu.vector_store %arg11[%swap3A_544, %swap3A_545], %select_n3A_542 {strides = array<i32>} : memref<32x288xf32, #tpu.memory_space<vmem>>, vector<16xf32>,
        %le3A_547 = arith.cmpf ole, %get3A_398, %broadcast_in_dim3A_33 : vector<16xf32>
        %le3A_548 = arith.cmpf ole, %get3A_402, %broadcast_in_dim3A_33 : vector<16xf32>
        %gt3A_549 = arith.constant dense<true> : vector<16xi1>
        %gt3A_550 = arith.xori %le3A_548, %gt3A_549 : vector<16xi1>
        %gt3A_551 = arith.andi %le3A_547, %gt3A_550 : vector<16xi1>
        %select_n3A_552 = arith.select %gt3A_551, %broadcast_in_dim3A_56, %broadcast_in_dim3A_58 : vector<16xi1>, vector<16xf32>
        %swap3A_553 = arith.constant 16 : i32
        %swap3A_554 = arith.index_cast %swap3A_553 : i32 to index
        %swap3A_555 = arith.index_cast %add3A_396 : i32 to index
        %swap3A_556 = tpu.vector_load %arg11[%swap3A_554, %swap3A_555] {strides = array<i32>} : memref<32x288xf32, #tpu.memory_space<vmem>>, vector<16xf32>,
        tpu.vector_store %arg11[%swap3A_554, %swap3A_555], %select_n3A_552 {strides = array<i32>} : memref<32x288xf32, #tpu.memory_space<vmem>>, vector<16xf32>,
        %gt3A_557 = arith.constant dense<true> : vector<16xi1>
        %gt3A_558 = arith.xori %le3A_547, %gt3A_557 : vector<16xi1>
        %gt3A_559 = arith.andi %le3A_548, %gt3A_558 : vector<16xi1>
        %select_n3A_560 = arith.select %gt3A_559, %broadcast_in_dim3A_56, %broadcast_in_dim3A_58 : vector<16xi1>, vector<16xf32>
        %swap3A_561 = arith.constant 17 : i32
        %swap3A_562 = arith.index_cast %swap3A_561 : i32 to index
        %swap3A_563 = arith.index_cast %add3A_396 : i32 to index
        %swap3A_564 = tpu.vector_load %arg11[%swap3A_562, %swap3A_563] {strides = array<i32>} : memref<32x288xf32, #tpu.memory_space<vmem>>, vector<16xf32>,
        tpu.vector_store %arg11[%swap3A_562, %swap3A_563], %select_n3A_560 {strides = array<i32>} : memref<32x288xf32, #tpu.memory_space<vmem>>, vector<16xf32>,
        %le3A_565 = arith.cmpf ole, %get3A_398, %broadcast_in_dim3A_36 : vector<16xf32>
        %le3A_566 = arith.cmpf ole, %get3A_402, %broadcast_in_dim3A_36 : vector<16xf32>
        %gt3A_567 = arith.constant dense<true> : vector<16xi1>
        %gt3A_568 = arith.xori %le3A_566, %gt3A_567 : vector<16xi1>
        %gt3A_569 = arith.andi %le3A_565, %gt3A_568 : vector<16xi1>
        %select_n3A_570 = arith.select %gt3A_569, %broadcast_in_dim3A_56, %broadcast_in_dim3A_58 : vector<16xi1>, vector<16xf32>
        %swap3A_571 = arith.constant 18 : i32
        %swap3A_572 = arith.index_cast %swap3A_571 : i32 to index
        %swap3A_573 = arith.index_cast %add3A_396 : i32 to index
        %swap3A_574 = tpu.vector_load %arg11[%swap3A_572, %swap3A_573] {strides = array<i32>} : memref<32x288xf32, #tpu.memory_space<vmem>>, vector<16xf32>,
        tpu.vector_store %arg11[%swap3A_572, %swap3A_573], %select_n3A_570 {strides = array<i32>} : memref<32x288xf32, #tpu.memory_space<vmem>>, vector<16xf32>,
        %gt3A_575 = arith.constant dense<true> : vector<16xi1>
        %gt3A_576 = arith.xori %le3A_565, %gt3A_575 : vector<16xi1>
        %gt3A_577 = arith.andi %le3A_566, %gt3A_576 : vector<16xi1>
        %select_n3A_578 = arith.select %gt3A_577, %broadcast_in_dim3A_56, %broadcast_in_dim3A_58 : vector<16xi1>, vector<16xf32>
        %swap3A_579 = arith.constant 19 : i32
        %swap3A_580 = arith.index_cast %swap3A_579 : i32 to index
        %swap3A_581 = arith.index_cast %add3A_396 : i32 to index
        %swap3A_582 = tpu.vector_load %arg11[%swap3A_580, %swap3A_581] {strides = array<i32>} : memref<32x288xf32, #tpu.memory_space<vmem>>, vector<16xf32>,
        tpu.vector_store %arg11[%swap3A_580, %swap3A_581], %select_n3A_578 {strides = array<i32>} : memref<32x288xf32, #tpu.memory_space<vmem>>, vector<16xf32>,
        %le3A_583 = arith.cmpf ole, %get3A_398, %broadcast_in_dim3A_39 : vector<16xf32>
        %le3A_584 = arith.cmpf ole, %get3A_402, %broadcast_in_dim3A_39 : vector<16xf32>
        %gt3A_585 = arith.constant dense<true> : vector<16xi1>
        %gt3A_586 = arith.xori %le3A_584, %gt3A_585 : vector<16xi1>
        %gt3A_587 = arith.andi %le3A_583, %gt3A_586 : vector<16xi1>
        %select_n3A_588 = arith.select %gt3A_587, %broadcast_in_dim3A_56, %broadcast_in_dim3A_58 : vector<16xi1>, vector<16xf32>
        %swap3A_589 = arith.constant 20 : i32
        %swap3A_590 = arith.index_cast %swap3A_589 : i32 to index
        %swap3A_591 = arith.index_cast %add3A_396 : i32 to index
        %swap3A_592 = tpu.vector_load %arg11[%swap3A_590, %swap3A_591] {strides = array<i32>} : memref<32x288xf32, #tpu.memory_space<vmem>>, vector<16xf32>,
        tpu.vector_store %arg11[%swap3A_590, %swap3A_591], %select_n3A_588 {strides = array<i32>} : memref<32x288xf32, #tpu.memory_space<vmem>>, vector<16xf32>,
        %gt3A_593 = arith.constant dense<true> : vector<16xi1>
        %gt3A_594 = arith.xori %le3A_583, %gt3A_593 : vector<16xi1>
        %gt3A_595 = arith.andi %le3A_584, %gt3A_594 : vector<16xi1>
        %select_n3A_596 = arith.select %gt3A_595, %broadcast_in_dim3A_56, %broadcast_in_dim3A_58 : vector<16xi1>, vector<16xf32>
        %swap3A_597 = arith.constant 21 : i32
        %swap3A_598 = arith.index_cast %swap3A_597 : i32 to index
        %swap3A_599 = arith.index_cast %add3A_396 : i32 to index
        %swap3A_600 = tpu.vector_load %arg11[%swap3A_598, %swap3A_599] {strides = array<i32>} : memref<32x288xf32, #tpu.memory_space<vmem>>, vector<16xf32>,
        tpu.vector_store %arg11[%swap3A_598, %swap3A_599], %select_n3A_596 {strides = array<i32>} : memref<32x288xf32, #tpu.memory_space<vmem>>, vector<16xf32>,
        %le3A_601 = arith.cmpf ole, %get3A_398, %broadcast_in_dim3A_42 : vector<16xf32>
        %le3A_602 = arith.cmpf ole, %get3A_402, %broadcast_in_dim3A_42 : vector<16xf32>
        %gt3A_603 = arith.constant dense<true> : vector<16xi1>
        %gt3A_604 = arith.xori %le3A_602, %gt3A_603 : vector<16xi1>
        %gt3A_605 = arith.andi %le3A_601, %gt3A_604 : vector<16xi1>
        %select_n3A_606 = arith.select %gt3A_605, %broadcast_in_dim3A_56, %broadcast_in_dim3A_58 : vector<16xi1>, vector<16xf32>
        %swap3A_607 = arith.constant 22 : i32
        %swap3A_608 = arith.index_cast %swap3A_607 : i32 to index
        %swap3A_609 = arith.index_cast %add3A_396 : i32 to index
        %swap3A_610 = tpu.vector_load %arg11[%swap3A_608, %swap3A_609] {strides = array<i32>} : memref<32x288xf32, #tpu.memory_space<vmem>>, vector<16xf32>,
        tpu.vector_store %arg11[%swap3A_608, %swap3A_609], %select_n3A_606 {strides = array<i32>} : memref<32x288xf32, #tpu.memory_space<vmem>>, vector<16xf32>,
        %gt3A_611 = arith.constant dense<true> : vector<16xi1>
        %gt3A_612 = arith.xori %le3A_601, %gt3A_611 : vector<16xi1>
        %gt3A_613 = arith.andi %le3A_602, %gt3A_612 : vector<16xi1>
        %select_n3A_614 = arith.select %gt3A_613, %broadcast_in_dim3A_56, %broadcast_in_dim3A_58 : vector<16xi1>, vector<16xf32>
        %swap3A_615 = arith.constant 23 : i32
        %swap3A_616 = arith.index_cast %swap3A_615 : i32 to index
        %swap3A_617 = arith.index_cast %add3A_396 : i32 to index
        %swap3A_618 = tpu.vector_load %arg11[%swap3A_616, %swap3A_617] {strides = array<i32>} : memref<32x288xf32, #tpu.memory_space<vmem>>, vector<16xf32>,
        tpu.vector_store %arg11[%swap3A_616, %swap3A_617], %select_n3A_614 {strides = array<i32>} : memref<32x288xf32, #tpu.memory_space<vmem>>, vector<16xf32>,
        %le3A_619 = arith.cmpf ole, %get3A_398, %broadcast_in_dim3A_45 : vector<16xf32>
        %le3A_620 = arith.cmpf ole, %get3A_402, %broadcast_in_dim3A_45 : vector<16xf32>
        %gt3A_621 = arith.constant dense<true> : vector<16xi1>
        %gt3A_622 = arith.xori %le3A_620, %gt3A_621 : vector<16xi1>
        %gt3A_623 = arith.andi %le3A_619, %gt3A_622 : vector<16xi1>
        %select_n3A_624 = arith.select %gt3A_623, %broadcast_in_dim3A_56, %broadcast_in_dim3A_58 : vector<16xi1>, vector<16xf32>
        %swap3A_625 = arith.constant 24 : i32
        %swap3A_626 = arith.index_cast %swap3A_625 : i32 to index
        %swap3A_627 = arith.index_cast %add3A_396 : i32 to index
        %swap3A_628 = tpu.vector_load %arg11[%swap3A_626, %swap3A_627] {strides = array<i32>} : memref<32x288xf32, #tpu.memory_space<vmem>>, vector<16xf32>,
        tpu.vector_store %arg11[%swap3A_626, %swap3A_627], %select_n3A_624 {strides = array<i32>} : memref<32x288xf32, #tpu.memory_space<vmem>>, vector<16xf32>,
        %gt3A_629 = arith.constant dense<true> : vector<16xi1>
        %gt3A_630 = arith.xori %le3A_619, %gt3A_629 : vector<16xi1>
        %gt3A_631 = arith.andi %le3A_620, %gt3A_630 : vector<16xi1>
        %select_n3A_632 = arith.select %gt3A_631, %broadcast_in_dim3A_56, %broadcast_in_dim3A_58 : vector<16xi1>, vector<16xf32>
        %swap3A_633 = arith.constant 25 : i32
        %swap3A_634 = arith.index_cast %swap3A_633 : i32 to index
        %swap3A_635 = arith.index_cast %add3A_396 : i32 to index
        %swap3A_636 = tpu.vector_load %arg11[%swap3A_634, %swap3A_635] {strides = array<i32>} : memref<32x288xf32, #tpu.memory_space<vmem>>, vector<16xf32>,
        tpu.vector_store %arg11[%swap3A_634, %swap3A_635], %select_n3A_632 {strides = array<i32>} : memref<32x288xf32, #tpu.memory_space<vmem>>, vector<16xf32>,
        %le3A_637 = arith.cmpf ole, %get3A_398, %broadcast_in_dim3A_48 : vector<16xf32>
        %le3A_638 = arith.cmpf ole, %get3A_402, %broadcast_in_dim3A_48 : vector<16xf32>
        %gt3A_639 = arith.constant dense<true> : vector<16xi1>
        %gt3A_640 = arith.xori %le3A_638, %gt3A_639 : vector<16xi1>
        %gt3A_641 = arith.andi %le3A_637, %gt3A_640 : vector<16xi1>
        %select_n3A_642 = arith.select %gt3A_641, %broadcast_in_dim3A_56, %broadcast_in_dim3A_58 : vector<16xi1>, vector<16xf32>
        %swap3A_643 = arith.constant 26 : i32
        %swap3A_644 = arith.index_cast %swap3A_643 : i32 to index
        %swap3A_645 = arith.index_cast %add3A_396 : i32 to index
        %swap3A_646 = tpu.vector_load %arg11[%swap3A_644, %swap3A_645] {strides = array<i32>} : memref<32x288xf32, #tpu.memory_space<vmem>>, vector<16xf32>,
        tpu.vector_store %arg11[%swap3A_644, %swap3A_645], %select_n3A_642 {strides = array<i32>} : memref<32x288xf32, #tpu.memory_space<vmem>>, vector<16xf32>,
        %gt3A_647 = arith.constant dense<true> : vector<16xi1>
        %gt3A_648 = arith.xori %le3A_637, %gt3A_647 : vector<16xi1>
        %gt3A_649 = arith.andi %le3A_638, %gt3A_648 : vector<16xi1>
        %select_n3A_650 = arith.select %gt3A_649, %broadcast_in_dim3A_56, %broadcast_in_dim3A_58 : vector<16xi1>, vector<16xf32>
        %swap3A_651 = arith.constant 27 : i32
        %swap3A_652 = arith.index_cast %swap3A_651 : i32 to index
        %swap3A_653 = arith.index_cast %add3A_396 : i32 to index
        %swap3A_654 = tpu.vector_load %arg11[%swap3A_652, %swap3A_653] {strides = array<i32>} : memref<32x288xf32, #tpu.memory_space<vmem>>, vector<16xf32>,
        tpu.vector_store %arg11[%swap3A_652, %swap3A_653], %select_n3A_650 {strides = array<i32>} : memref<32x288xf32, #tpu.memory_space<vmem>>, vector<16xf32>,
        %le3A_655 = arith.cmpf ole, %get3A_398, %broadcast_in_dim3A_51 : vector<16xf32>
        %le3A_656 = arith.cmpf ole, %get3A_402, %broadcast_in_dim3A_51 : vector<16xf32>
        %gt3A_657 = arith.constant dense<true> : vector<16xi1>
        %gt3A_658 = arith.xori %le3A_656, %gt3A_657 : vector<16xi1>
        %gt3A_659 = arith.andi %le3A_655, %gt3A_658 : vector<16xi1>
        %select_n3A_660 = arith.select %gt3A_659, %broadcast_in_dim3A_56, %broadcast_in_dim3A_58 : vector<16xi1>, vector<16xf32>
        %swap3A_661 = arith.constant 28 : i32
        %swap3A_662 = arith.index_cast %swap3A_661 : i32 to index
        %swap3A_663 = arith.index_cast %add3A_396 : i32 to index
        %swap3A_664 = tpu.vector_load %arg11[%swap3A_662, %swap3A_663] {strides = array<i32>} : memref<32x288xf32, #tpu.memory_space<vmem>>, vector<16xf32>,
        tpu.vector_store %arg11[%swap3A_662, %swap3A_663], %select_n3A_660 {strides = array<i32>} : memref<32x288xf32, #tpu.memory_space<vmem>>, vector<16xf32>,
        %gt3A_665 = arith.constant dense<true> : vector<16xi1>
        %gt3A_666 = arith.xori %le3A_655, %gt3A_665 : vector<16xi1>
        %gt3A_667 = arith.andi %le3A_656, %gt3A_666 : vector<16xi1>
        %select_n3A_668 = arith.select %gt3A_667, %broadcast_in_dim3A_56, %broadcast_in_dim3A_58 : vector<16xi1>, vector<16xf32>
        %swap3A_669 = arith.constant 29 : i32
        %swap3A_670 = arith.index_cast %swap3A_669 : i32 to index
        %swap3A_671 = arith.index_cast %add3A_396 : i32 to index
        %swap3A_672 = tpu.vector_load %arg11[%swap3A_670, %swap3A_671] {strides = array<i32>} : memref<32x288xf32, #tpu.memory_space<vmem>>, vector<16xf32>,
        tpu.vector_store %arg11[%swap3A_670, %swap3A_671], %select_n3A_668 {strides = array<i32>} : memref<32x288xf32, #tpu.memory_space<vmem>>, vector<16xf32>,
        %le3A_673 = arith.cmpf ole, %get3A_398, %broadcast_in_dim3A_54 : vector<16xf32>
        %le3A_674 = arith.cmpf ole, %get3A_402, %broadcast_in_dim3A_54 : vector<16xf32>
        %gt3A_675 = arith.constant dense<true> : vector<16xi1>
        %gt3A_676 = arith.xori %le3A_674, %gt3A_675 : vector<16xi1>
        %gt3A_677 = arith.andi %le3A_673, %gt3A_676 : vector<16xi1>
        %select_n3A_678 = arith.select %gt3A_677, %broadcast_in_dim3A_56, %broadcast_in_dim3A_58 : vector<16xi1>, vector<16xf32>
        %swap3A_679 = arith.constant 30 : i32
        %swap3A_680 = arith.index_cast %swap3A_679 : i32 to index
        %swap3A_681 = arith.index_cast %add3A_396 : i32 to index
        %swap3A_682 = tpu.vector_load %arg11[%swap3A_680, %swap3A_681] {strides = array<i32>} : memref<32x288xf32, #tpu.memory_space<vmem>>, vector<16xf32>,
        tpu.vector_store %arg11[%swap3A_680, %swap3A_681], %select_n3A_678 {strides = array<i32>} : memref<32x288xf32, #tpu.memory_space<vmem>>, vector<16xf32>,
        %gt3A_683 = arith.constant dense<true> : vector<16xi1>
        %gt3A_684 = arith.xori %le3A_673, %gt3A_683 : vector<16xi1>
        %gt3A_685 = arith.andi %le3A_674, %gt3A_684 : vector<16xi1>
        %select_n3A_686 = arith.select %gt3A_685, %broadcast_in_dim3A_56, %broadcast_in_dim3A_58 : vector<16xi1>, vector<16xf32>
        %swap3A_687 = arith.constant 31 : i32
        %swap3A_688 = arith.index_cast %swap3A_687 : i32 to index
        %swap3A_689 = arith.index_cast %add3A_396 : i32 to index
        %swap3A_690 = tpu.vector_load %arg11[%swap3A_688, %swap3A_689] {strides = array<i32>} : memref<32x288xf32, #tpu.memory_space<vmem>>, vector<16xf32>,
        tpu.vector_store %arg11[%swap3A_688, %swap3A_689], %select_n3A_686 {strides = array<i32>} : memref<32x288xf32, #tpu.memory_space<vmem>>, vector<16xf32>,
      }
      %scan3A_98 = arith.constant 9 : i32
      "tpu.region"() ({
        %run_scoped3A = tpu.sem_alloc : memref<!tpu.dma_semaphore, #tpu.memory_space<semaphore_mem>>
        %dma_start3A_99 = arith.constant 0 : i32
        %dma_start3A_100 = arith.constant 499712 : i32
        %dma_start3A_101 = tpu.memref_slice %arg4[%dma_start3A_99, %dma_start3A_100] : memref<32x500000xf32, #tpu.memory_space<hbm>> -> memref<32x288xf32, #tpu.memory_space<hbm>>
        %dma_start3A_102 = arith.constant 0 : i32
        %dma_start3A_103 = arith.constant 499712 : i32
        %dma_start3A_104 = tpu.memref_slice %arg4[%dma_start3A_102, %dma_start3A_103] : memref<32x500000xf32, #tpu.memory_space<hbm>> -> memref<32x288xf32, #tpu.memory_space<hbm>>
        tpu.enqueue_dma source(%arg11 : memref<32x288xf32, #tpu.memory_space<vmem>>) target(%dma_start3A_104 : memref<32x288xf32, #tpu.memory_space<hbm>>) target_semaphore(%run_scoped3A : memref<!tpu.dma_semaphore, #tpu.memory_space<semaphore_mem>>)
        %dma_wait3A_105 = arith.constant 0 : i32
        %dma_wait3A_106 = arith.constant 499712 : i32
        %dma_wait3A_107 = tpu.memref_slice %arg4[%dma_wait3A_105, %dma_wait3A_106] : memref<32x500000xf32, #tpu.memory_space<hbm>> -> memref<32x288xf32, #tpu.memory_space<hbm>>
        %dma_wait3A_108 = arith.constant 0 : i32
        %dma_wait3A_109 = arith.constant 499712 : i32
        %dma_wait3A_110 = tpu.memref_slice %arg4[%dma_wait3A_108, %dma_wait3A_109] : memref<32x500000xf32, #tpu.memory_space<hbm>> -> memref<32x288xf32, #tpu.memory_space<hbm>>
        tpu.wait_dma2 semaphore(%run_scoped3A : memref<!tpu.dma_semaphore, #tpu.memory_space<semaphore_mem>>) src(%arg11 : memref<32x288xf32, #tpu.memory_space<vmem>>) dst(%dma_wait3A_110 : memref<32x288xf32, #tpu.memory_space<hbm>>)
        tpu.yield
      }) : () -> ()
    } else {
    }
    %dma_wait3A = arith.constant 0 : i32
    %dma_wait3A_76 = arith.constant 0 : i32
    %dma_wait3A_77 = tpu.memref_slice %arg4[%dma_wait3A, %dma_wait3A_76] : memref<32x500000xf32, #tpu.memory_space<hbm>> -> memref<32x1024xf32, #tpu.memory_space<hbm>>
    %dma_wait3A_78 = arith.constant 0 : i32
    %dma_wait3A_79 = arith.constant 0 : i32
    %dma_wait3A_80 = tpu.memref_slice %arg4[%dma_wait3A_78, %dma_wait3A_79] : memref<32x500000xf32, #tpu.memory_space<hbm>> -> memref<32x1024xf32, #tpu.memory_space<hbm>>
    tpu.wait_dma2 semaphore(%arg14 : memref<!tpu.dma_semaphore, #tpu.memory_space<semaphore_mem>>) src(%arg8 : memref<32x1024xf32, #tpu.memory_space<vmem>>) dst(%dma_wait3A_80 : memref<32x1024xf32, #tpu.memory_space<hbm>>)
    %dma_wait3A_81 = arith.constant 0 : i32
    %dma_wait3A_82 = arith.constant 0 : i32
    %dma_wait3A_83 = tpu.memref_slice %arg4[%dma_wait3A_81, %dma_wait3A_82] : memref<32x500000xf32, #tpu.memory_space<hbm>> -> memref<32x1024xf32, #tpu.memory_space<hbm>>
    %dma_wait3A_84 = arith.constant 0 : i32
    %dma_wait3A_85 = arith.constant 0 : i32
    %dma_wait3A_86 = tpu.memref_slice %arg4[%dma_wait3A_84, %dma_wait3A_85] : memref<32x500000xf32, #tpu.memory_space<hbm>> -> memref<32x1024xf32, #tpu.memory_space<hbm>>
    tpu.wait_dma2 semaphore(%arg15 : memref<!tpu.dma_semaphore, #tpu.memory_space<semaphore_mem>>) src(%arg9 : memref<32x1024xf32, #tpu.memory_space<vmem>>) dst(%dma_wait3A_86 : memref<32x1024xf32, #tpu.memory_space<hbm>>)
    return
  }
}

</mosaic_0001>

<sc_bundles>
// kernel: kernel.3.cloned.1.call-start
scs
__scs_entry_jumppad:
0x0: {  	(pc) =	sbr.rel $0x88, $3  }
0x1: {  	(tag) =	ssettag $0x0;
	lr =	simm.s32 $0x1  }
0x2: {  	[smem:$0x3FA0] =	sst lr;
	_ =	strace $0xD0000000  }
0x3: {  	_ = 	snop  }
0x4: {  	_ = 	snop  }
0x5: {  	_ = 	snop  }
0x6: {  	_ = 	snop  }
0x7: {  	_ = 	snop  }
__scs_overlays_trampoline_lowered:
0x8: {  	[smem:$0x3FAF] =	sst s0  }
0x9: {  	[smem:$0x3FB0] =	sst s1  }
0xa: {  	[smem:$0x3FB1] =	sst s2  }
0xb: {  	[smem:$0x3FB2] =	sst s3  }
0xc: {  	[smem:$0x3FB3] =	sst s4  }
0xd: {  	[smem:$0x3FB4] =	sst s5  }
0xe: {  	[smem:$0x3FB5] =	sst s6  }
0xf: {  	[smem:$0x3FB6] =	sst s7  }
0x10: {  	[smem:$0x3FB7] =	sst s8  }
0x11: {  	[smem:$0x3FB8] =	sst s9;
	s0 =	simm.s32 @!p0 $0x0  }
0x12: {  	s1 =	sld [smem:$0x3F9E];
	s0 =	simm.s32 @p0 $0x1  }
0x13: {  	[smem:$0x3FB9] =	sst s0;
	s0 =	simm.s32 @!p1 $0x0  }
0x14: {  	s2 =	sld [smem:$0x3F9D];
	s0 =	simm.s32 @p1 $0x1  }
0x15: {  	[smem:$0x3FBA] =	sst s0;
	s0 =	simm.s32 @!p2 $0x0  }
0x16: {  	s3 =	sld [smem:$0x3FDB];
	s0 =	simm.s32 @p2 $0x1  }
0x17: {  	s4 =	simm.s32 $0x1BF5;
	[smem:$0x3FBC] =	sst s0  }
0x18: {  	s0 =	sld [smem:$0x3F9F];
	_ =	swait.ge [sflag:s4], $0x0  }
0x19: {  	s7 =	sld [smem:$0x3FA0]  }
0x1a: {  	s8 =	sadd.s32 $0xFFFFE003, lr  }
0x1b: {  	s9 =	sadd.s32 $0xFFFFFEF7, lr;
	s5 =	simm.s32 $0xFFFFFFFF;
	p2 =	slt.u32 s8, $0xFFFFF086  }
0x1c: {  	p1 =	slt.u32 s9, $0xF7A;
	s5 =	simm.s32 @!p2 $0x0  }
0x1d: {  	s5 =	simm.s32 @p1 $0x1;
	p0 =	seq.s32 s7, s2  }
0x1e: {  	s7 =	smul.u32 @!p0 $0xF7A, s2;
	p2 =	seq.s32 @!p0 s5, $0x0  }
0x1f: {  	s9 =	smul.u32 $0xF7A, s1;
	s8 =	simm.s32 @!p0 $0x1BF5;
	p2 =	por !p2, p0  }
0x20: {  	[sflag:s8] =	ssyncset.s32 @!p0 $0xFFFFF086;
	s6 =	sadd.s32 @!p0 s3, s7;
	s7 =	simm.s32 @!p0 $0x108  }
0x21: {  	s3 =	sadd.s32 s3, s9;
	s6 =	sadd.s32 @!p0 $0x88, s6;
	s7 =	simm.s32 @p2 $0x1082  }
0x22: {  	[simem:s7], [sflag:s8] =	dma.local @!p0 [hbm:s6], $0xF7A  }
0x23: {  	s9 =	sor.u32 $0xD0000000, s2;
	s6 =	simm.s32 $0x108;
	_ =	swait.ge @!p0 [sflag:s8], $0x0  }
0x24: {  	s3 =	sadd.s32 $0x88, s3;
	s6 =	simm.s32 @!p1 $0x1082;
	[sflag:s4] =	ssyncset.s32 $0xFFFFF086  }
0x25: {  	[simem:s6], [sflag:s4] =	dma.local [hbm:s3], $0xF7A  }
0x26: {  	[smem:$0x3FA0] =	sst s1;
	(tag) =	ssettag s2;
	_ =	strace s9  }
0x27: {  	s1 =	sld [smem:$0x3FB0]  }
0x28: {  	s2 =	sld [smem:$0x3FB1]  }
0x29: {  	s4 =	sld [smem:$0x3FB3]  }
0x2a: {  	p0 =	seq.s32 s5, $0x0;
	s5 =	sld [smem:$0x3FB4]  }
0x2b: {  	s6 =	sld [smem:$0x3FB5]  }
0x2c: {  	s7 =	sld [smem:$0x3FB6]  }
0x2d: {  	s3 =	simm.s32 $0x108;
	s8 =	sld [smem:$0x3FB7]  }
0x2e: {  	s3 =	simm.s32 @!p0 $0x1082;
	s9 =	sld [smem:$0x3FB8]  }
0x2f: {  	lr =	sadd.s32 s0, s3;
	s0 =	sld [smem:$0x3FAF]  }
0x30: {  	s3 =	sld [smem:$0x3FB2]  }
0x31: {  	[smem:$0x3FBB] =	sst s10  }
0x32: {  	s10 =	sld [smem:$0x3FB9];
	_ =	sdelay $0x3  }
0x33: {  	p0 =	seq.s32 s10, $0x1;
	s10 =	sld [smem:$0x3FBB];
	_ =	sdelay $0x3  }
0x34: {  	[smem:$0x3FBB] =	sst s10  }
0x35: {  	s10 =	sld [smem:$0x3FBA];
	_ =	sdelay $0x3  }
0x36: {  	p1 =	seq.s32 s10, $0x1;
	s10 =	sld [smem:$0x3FBB];
	_ =	sdelay $0x3  }
0x37: {  	[smem:$0x3FBB] =	sst s10  }
0x38: {  	s10 =	sld [smem:$0x3FBC]  }
0x39: {  	_ = 	snop;
	(pc) =	sbr.ind lr, $3  }
0x3a: {  	_ = 	snop  }
0x3b: {  	_ = 	snop  }
0x3c: {  	p2 =	seq.s32 s10, $0x1;
	s10 =	sld [smem:$0x3FBB]  }
0x3d: {  	_ =	shalt  }
0x3e: {  	_ =	shalt  }
0x3f: {  	_ =	shalt  }
0x40: {  	_ =	shalt  }
0x41: {  	_ =	shalt  }
0x42: {  	_ =	shalt  }
0x43: {  	_ =	shalt  }
0x44: {  	_ =	shalt  }
0x45: {  	_ =	shalt  }
0x46: {  	_ =	shalt  }
0x47: {  	_ =	shalt  }
0x48: {  	_ =	shalt  }
0x49: {  	_ =	shalt  }
0x4a: {  	_ =	shalt  }
0x4b: {  	_ =	shalt  }
0x4c: {  	_ =	shalt  }
0x4d: {  	_ =	shalt  }
0x4e: {  	_ =	shalt  }
0x4f: {  	_ =	shalt  }
0x50: {  	_ =	shalt  }
0x51: {  	_ =	shalt  }
0x52: {  	_ =	shalt  }
0x53: {  	_ =	shalt  }
0x54: {  	_ =	shalt  }
0x55: {  	_ =	shalt  }
0x56: {  	_ =	shalt  }
0x57: {  	_ =	shalt  }
0x58: {  	_ =	shalt  }
0x59: {  	_ =	shalt  }
0x5a: {  	_ =	shalt  }
0x5b: {  	_ =	shalt  }
0x5c: {  	_ =	shalt  }
0x5d: {  	_ =	shalt  }
0x5e: {  	_ =	shalt  }
0x5f: {  	_ =	shalt  }
0x60: {  	_ =	shalt  }
0x61: {  	_ =	shalt  }
0x62: {  	_ =	shalt  }
0x63: {  	_ =	shalt  }
0x64: {  	_ =	shalt  }
0x65: {  	_ =	shalt  }
0x66: {  	_ =	shalt  }
0x67: {  	_ =	shalt  }
0x68: {  	_ =	shalt  }
0x69: {  	_ =	shalt  }
0x6a: {  	_ =	shalt  }
0x6b: {  	_ =	shalt  }
0x6c: {  	_ =	shalt  }
0x6d: {  	_ =	shalt  }
0x6e: {  	_ =	shalt  }
0x6f: {  	_ =	shalt  }
0x70: {  	_ =	shalt  }
0x71: {  	_ =	shalt  }
0x72: {  	_ =	shalt  }
0x73: {  	_ =	shalt  }
0x74: {  	_ =	shalt  }
0x75: {  	_ =	shalt  }
0x76: {  	_ =	shalt  }
0x77: {  	_ =	shalt  }
0x78: {  	_ =	shalt  }
0x79: {  	_ =	shalt  }
0x7a: {  	_ =	shalt  }
0x7b: {  	_ =	shalt  }
0x7c: {  	_ =	shalt  }
0x7d: {  	_ =	shalt  }
0x7e: {  	_ =	shalt  }
0x7f: {  	_ =	shalt  }
0x80: {  	_ =	shalt  }
0x81: {  	_ =	shalt  }
0x82: {  	_ =	shalt  }
0x83: {  	_ =	shalt  }
0x84: {  	_ =	shalt  }
0x85: {  	_ =	shalt  }
0x86: {  	_ =	shalt  }
0x87: {  	_ =	shalt  }
.Lfunc_end0:
.L_simem_size_0:
called_computation_lowered:
.L_overlay_start_0:
0x88: {  	s2 =	sld [smem:$0x3FD9]  }
0x89: {  	s3 =	sld [smem:$0x3FFE];
	_ =	sdelay $0x1  }
0x8a: {  	s1 =	srdreg.scid  }
0x8b: {  	s0 =	sand.u32 $0x1, s1  }
0x8c: {  	s17 =	sshll.u32 s0, $0xA;
	s2 =	sadd.s32 s3, s2  }
0x8d: {  	s2 =	sadd.s32 s2, s17  }
0x8e: {  	[smem:$0x3FC7] =	sst s2  }
0x8f: {  	_ = 	snop  }
0x90: {  	s2 =	sld [smem:$0x3FC9]  }
0x91: {  	s18 =	sld [smem:$0x3FD0];
	(tm) =	ssettm $0x1  }
0x92: {  	s4 =	sld [smem:$0x3FFB];
	_ =	sdelay $0x3  }
0x93: {  	_ =	strace s4  }
0x94: {  	s4 =	sld [smem:$0x3FFC];
	_ =	sdelay $0x3  }
0x95: {  	_ =	strace s4  }
0x96: {  	s4 =	sld [smem:$0x3FFD];
	_ =	sdelay $0x3  }
0x97: {  	_ =	strace s4  }
0x98: {  	_ =	strace $0x8FFFFFFF  }
0x99: {  	s19 =	sld [smem:$0x3FDB];
	_ =	sdelay $0x1  }
0x9a: {  	s5 =	simm.s32 $_scs_section_size  }
0x9b: {  	s6 =	simm.s32 $_size__tile_overlayer_lowered;
	s7 =	simm.s32 $_tile_overlayer_lowered  }
0x9c: {  	s22 =	simm.s32 $0x1BFF;
	s21 =	sshll.u32 s7, $0x1;
	s4 =	sadd.s32 s5, s19  }
0x9d: {  	s8 =	simm.s32 $0x0;
	s20 =	sshll.u32 s6, $0x1;
	s6 =	sadd.s32 s21, s4  }
0x9e: {  	[timem:s8], [sflag:s22] =	dma.local [hbm:s6], s20  }
0x9f: {  	_ =	swait.ge [sflag:s22], s20  }
0xa0: {  	s5 =	ssub.s32 $0x0, s20;
	[sflag:s22] =	ssyncset.done $0x0  }
0xa1: {  	[sflag:s22] =	ssyncadd.s32 s5;
	_ =	sdelay $0x1  }
0xa2: {  	s23 =	simm.s32 $0x1B8B  }
0xa3: {  	_ =	swait.ge [sflag:s23], $0x1  }
0xa4: {  	[sflag:s23] =	ssyncset.done $0x0  }
0xa5: {  	s25 =	simm.s32 $0x1B8E;
	s24 =	sld [smem:$0x3FFE];
	[sflag:s23] =	ssyncadd.s32 $0xFFFFFFFF  }
0xa6: {  	s26 =	simm.s32 $execute0_lowered;
	[smem:$0x3FD2] =	sst s25  }
0xa7: {  	s6 =	sshll.u32 s26, $0x1;
	_ =	strace $0x80000046;
	[dreg:$0x1] =	wrdreg $0xFFFFFFFF  }
0xa8: {  	s28 =	simm.s32 $_size_execute0_lowered;
	s4 =	sadd.s32 s4, s6;
	[dreg:$0x0] =	wrdreg $0x0  }
0xa9: {  	s6 =	sshll.u32 s28, $0x1;
	[dreg:$0x2] =	wrdreg s4  }
0xaa: {  	[dreg:$0x3] =	wrdreg s6  }
0xab: {  	[dreg:$0x4] =	wrdreg $0xC0  }
0xac: {  	_ =	task [dreg:s8], $0x5FFFF  }
0xad: {  	[dreg:$0x1] =	wrdreg $0xFFFFFFFF  }
0xae: {  	[dreg:$0x0] =	wrdreg $0x60  }
0xaf: {  	[dreg:$0x2] =	wrdreg s2  }
0xb0: {  	[dreg:$0x3] =	wrdreg s24  }
0xb1: {  	[dreg:$0x4] =	wrdreg s18  }
0xb2: {  	[dreg:$0x5] =	wrdreg $0x9  }
0xb3: {  	_ =	task.clear_ibuf [dreg:s8], $0x6FFFF;
	_ =	strace $0x90000046  }
0xb4: {  	s29 =	simm.s32 $0x9;
	_ =	strace $0x80000048  }
0xb5: {  	_ =	swait.ge [sflag:s29], $0x1  }
0xb6: {  	[sflag:s29] =	ssyncadd.s32 $0xFFFFFFFF  }
0xb7: {  	_ =	strace $0x90000048  }
0xb8: {  	_ =	sfence  }
0xb9: {  	s30 =	sld [smem:$0x0];
	_ =	sdelay $0x2  }
0xba: {  	s31 =	sshll.u32 s1, $0xD;
	s1 =	sshrl.u32 s1, $0x2  }
0xbb: {  	s3 =	sand.u32 $0x4000, s31;
	s1 =	sadd.s32 s1, s30  }
0xbc: {  	s0 =	sor.u32 s3, s0;
	s1 =	sshll.u32 s1, $0x11  }
0xbd: {  	s0 =	sor.u32 s1, s0  }
0xbe: {  	s0 =	sadd.s32 $0x8F2B, s0  }
0xbf: {  	[sflag:s0] =	ssyncadd.remote.s32 $0x1  }
0xc0: {  	_ =	sfence.sel $0xFFFF  }
0xc1: {  	[dreg:$0x0] =	wrdreg $0xFFFFFFFF;
	(pc) =	sbr.abs _section_cstart, $3  }
0xc2: {  	[dreg:$0x1] =	wrdreg $0xFFFFFFFF  }
0xc3: {  	_ =	task.clear_ibuf [dreg:s8], $0x2FFFF;
	_ =	strace $0x9FFFFFFF  }
0xc4: {  	(tm) =	ssettm $0x7FFFFFFF  }
0xc5: {  	_ =	shalt  }
tec
execute0_lowered:
.L_overlay_start_1:
0x0: {  	(tag) =	ssettag $0x1  }
0x1: {  	s8 =	rddreg [dreg:$0x0]  }
0x2: {  	s0 =	rddreg [dreg:$0x1];
	s1 =	srdreg.scid  }
0x3: {  	s5 =	stileid.u32;
	s9 =	rddreg [dreg:$0x2]  }
0x4: {  	s10 =	simm.s32 $0x0;
	s13 =	simm.s32 $0x10;
	s19 =	simm.s32 $0x5  }
0x5: {  	s20 =	simm.s32 $0x80;
	s21 =	simm.s32 $0x500;
	s22 =	simm.s32 $0x1  }
0x6: {  	s23 =	simm.s32 $0x2000;
	s28 =	simm.s32 $0x8980;
	s29 =	simm.s32 $0x3  }
0x7: {  	s30 =	simm.s32 $0x4;
	s1 =	sand.u32 $0x1, s1;
	s2 =	sshll.u32 s5, $0x1  }
0x8: {  	[smem:$0x7FF] =	sst s10;
	s11 =	sadd.s32 $0x400, s0;
	p0 =	slt.u32 s5, $0x4  }
0x9: {  	s25 =	sadd.s32 $0xF400, s8;
	s26 =	sadd.s32 $0x7A000, s9;
	s2 =	sor.u32 s1, s2  }
0xa: {  	_ =	strace $0x80000047;
	s1 =	ssub.s32 $0x2, s1;
	[dreg:$0xb] =	wrdreg s25  }
0xb: {  	s13 =	simm.s32 @!p0 $0xF;
	[dreg:$0xc] =	wrdreg s26;
	s3 =	smul.u32 $0xF, s2  }
0xc: {  	[dreg:$0x4] =	wrdreg s11;
	s4 =	smin.u32 s2, $0x8;
	s24 =	sshrl.u32 s1, $0x1  }
0xd: {  	[dreg:$0x6] =	wrdreg s13;
	s0 =	ssub.s32 s1, s24;
	s12 =	sadd.s32 s4, s3  }
0xe: {  	s31 =	simm.s32 $0x0;
	s18 =	smax.u32 s0, $0x1;
	[dreg:$0x5] =	wrdreg s12  }
.Ltmp0:
0xf: {  	s15 =	sadd.s32 s13, s12;
	[dreg:$0xd] =	wrdreg s18;
	(pc) =	sbr.rel .LBB2_1-.Ltmp0, $4  }
0x10: {  	s3 =	sshll.u32 s12, $0x7;
	s17 =	sadd.s32 $0x2, s12;
	[dreg:$0x8] =	wrdreg s15  }
0x11: {  	s25 =	simm.s32 $0x980;
	s14 =	sadd.s32 s8, s3;
	[dreg:$0xa] =	wrdreg s17  }
0x12: {  	s26 =	simm.s32 $0x2;
	s16 =	sadd.s32 $0x80, s14;
	[dreg:$0x7] =	wrdreg s14  }
0x13: {  	v0 =	vimm.f32 $1.000000000e+00;
	v1 =	vimm.f32 $0.0e+00;
	p0 =	sne.s32 s2, $0x1F;
	s24 =	simm.s32 $0x3D0C00;
	[dreg:$0x9] =	wrdreg s16  }
.LBB2_15:
0x14: {  	s31 =	sadd.s32 $0x1, s31  }
0x15: {  	_ =	swait.ge [sflag:s29], $0x8000;
	p1 =	sne.s32 s31, s18  }
.Ltmp1:
0x16: {  	[sflag:s29] =	ssyncset.done $0x0;
	(pc) =	sbr.rel @!p1 .LBB2_16-.Ltmp1, $4  }
0x17: {  	[sflag:s29] =	ssyncadd.s32 $0xFFFF8000  }
0x18: {  	_ =	swait.ge [sflag:s30], $0x8000  }
0x19: {  	[sflag:s30] =	ssyncset.done $0x0  }
0x1a: {  	[sflag:s30] =	ssyncadd.s32 $0xFFFF8000  }
.LBB2_1:
0x1b: {  	[tilespmem:s10], [sflag:$0x5] =	stream.linear.gather [hbm4b:s11+s10], $0x80, $0x38;
	[tilespmem:$0x13B00] =	vst v63  }
0x1c: {  	_ =	swait.ge [sflag:s19], $0x80  }
0x1d: {  	[sflag:s19] =	ssyncset.done $0x0  }
0x1e: {  	[sflag:s19] =	ssyncadd.s32 $0xFFFFFF80  }
0x1f: {  	v17 =	vld [tilespmem:$0x0];
	_ =	sdelay $0x4  }
0x20: {  	v2 =	vbroadcast v17, $0x0;
	v3 =	vbroadcast v17, $0x1  }
0x21: {  	v4 =	vbroadcast v17, $0x2;
	v5 =	vbroadcast v17, $0x3  }
0x22: {  	v6 =	vbroadcast v17, $0x4;
	v7 =	vbroadcast v17, $0x5  }
.Ltmp2:
0x23: {  	v8 =	vbroadcast v17, $0x6;
	v9 =	vbroadcast v17, $0x7;
	(pc) =	sbr.rel .LBB2_2-.Ltmp2, $4  }
0x24: {  	v10 =	vbroadcast v17, $0x8;
	v11 =	vbroadcast v17, $0x9  }
0x25: {  	[tilespmem:s20], [sflag:$0x1] =	stream.linear.gather [hbm4b:s14+s10], $0x410, $0x38;
	v12 =	vbroadcast v17, $0xA;
	v13 =	vbroadcast v17, $0xB;
	[tilespmem:$0x13B00] =	vst v63  }
0x26: {  	s0 =	simm.s32 $0x0;
	v14 =	vbroadcast v17, $0xC;
	v15 =	vbroadcast v17, $0xD  }
0x27: {  	[tilespmem:s21], [sflag:$0x2] =	stream.linear.gather [hbm4b:s16+s10], $0x410, $0x38;
	v16 =	vbroadcast v17, $0xE;
	v17 =	vbroadcast v17, $0xF;
	[tilespmem:$0x13B00] =	vst v63  }
.LBB2_10:
0x28: {  	s0 =	sadd.s32 $0x1, s0  }
0x29: {  	p1 =	sne.s32 s0, $0x8  }
.Ltmp3:
0x2a: {  	_ = 	snop;
	(pc) =	sbr.rel @!p1 .LBB2_11-.Ltmp3, $1  }
0x2b: {  	_ =	sdelay $0x3  }
.LBB2_2:
0x2c: {  	s1 =	sshll.u32 s0, $0x1  }
0x2d: {  	p1 =	sge.u32 s1, s13  }
.Ltmp4:
0x2e: {  	_ = 	snop;
	(pc) =	sbr.rel @p1 .LBB2_6-.Ltmp4, $2  }
0x2f: {  	_ =	sdelay $0x2  }
0x30: {  	s2 =	sadd.s32 s12, s1  }
0x31: {  	_ =	swait.ge [sflag:s22], $0x410  }
0x32: {  	p1 =	seq.s32 s0, $0x0;
	[sflag:s22] =	ssyncset.done $0x0  }
0x33: {  	s1 =	simm.s32 @!p1 $0x3;
	[sflag:s22] =	ssyncadd.s32 $0xFFFFFBF0  }
0x34: {  	_ =	swait.ge @!p1 [sflag:s1], $0x8000  }
0x35: {  	s3 =	simm.s32 $0x81;
	[sflag:s1] =	ssyncset.done @!p1 $0x0  }
0x36: {  	s4 =	simm.s32 $0x0;
	[sflag:s1] =	ssyncadd.s32 @!p1 $0xFFFF8000;
	s1 =	simm.s32 $0x0  }
.LBB2_4:
0x37: {  	v19 =	vld [tilespmem:s3+$0xFFFFFFFF]  }
0x38: {  	v18 =	vld [tilespmem:s3+$0x0];
	_ =	sdelay $0x4  }
0x39: {  	vm0 =	vle.f32 v19, v2;
	vm1 =	vle.f32 v18, v2;
	vm13 =	vle.f32 v19, v3  }
0x3a: {  	vm14 =	vle.f32 v18, v3;
	vm15 =	vle.f32 v19, v4;
	vm4 =	vle.f32 v18, v4  }
0x3b: {  	vm7 =	vle.f32 v19, v5;
	vm9 =	vle.f32 v18, v5;
	vm0 =	vmneg vm0  }
0x3c: {  	vm11 =	vle.f32 v19, v6;
	vm2 =	vmor vm0, vm1;
	vm0 =	vmand vm0, vm1  }
0x3d: {  	vm12 =	vle.f32 v18, v6;
	v20 =	vsel vm2, $0x0, v0;
	v21 =	vsel vm0, $0x3F800000, v1  }
0x3e: {  	vm0 =	vmneg vm13;
	vm2 =	vmneg vm15;
	vm13 =	vle.f32 v19, v7  }
0x3f: {  	s5 =	sand.u32 $0x70, s4;
	s6 =	sand.u32 $0x1C00, s1;
	vm15 =	vle.f32 v18, v7;
	vm3 =	vmor vm0, vm14;
	vm0 =	vmand vm0, vm14  }
0x40: {  	s5 =	sor.u32 s5, s6;
	vm6 =	vmor vm2, vm4;
	vm8 =	vmand vm2, vm4;
	vm2 =	vmneg vm13  }
0x41: {  	[tilespmem:s5+$0x980] =	vst v20;
	vm13 =	vle.f32 v19, v10;
	v22 =	vsel vm3, $0x0, v0;
	v23 =	vsel vm0, $0x3F800000, v1  }
0x42: {  	[tilespmem:s5+$0xA00] =	vst v21;
	v24 =	vsel vm6, $0x0, v0;
	vm0 =	vmneg vm7;
	v41 =	vsel vm8, $0x3F800000, v1  }
0x43: {  	vm6 =	vmor vm2, vm15;
	vm7 =	vle.f32 v19, v8;
	vm8 =	vmand vm2, vm15;
	[tilespmem:s5+$0xA80] =	vst v22  }
0x44: {  	vm2 =	vmneg vm13;
	vm15 =	vle.f32 v18, v10;
	vm13 =	vle.f32 v18, v12;
	[tilespmem:s5+$0xB00] =	vst v23  }
0x45: {  	vm10 =	vmor vm0, vm9;
	vm0 =	vmand vm0, vm9;
	[tilespmem:s5+$0xB80] =	vst v24;
	v45 =	vsel vm6, $0x0, v0  }
0x46: {  	s7 =	sor.u32 s1, s4;
	[tilespmem:s5+$0xC00] =	vst v41;
	v42 =	vsel vm10, $0x0, v0;
	v25 =	vsel vm0, $0x3F800000, v1;
	vm0 =	vmneg vm11  }
0x47: {  	s6 =	sor.u32 $0x380, s7;
	vm9 =	vle.f32 v18, v8;
	v46 =	vsel vm8, $0x3F800000, v1;
	vm14 =	vmor vm0, vm12;
	[tilespmem:s5+$0xC80] =	vst v42  }
0x48: {  	vm8 =	vle.f32 v19, v11;
	vm0 =	vmand vm0, vm12;
	v43 =	vsel vm14, $0x0, v0;
	[tilespmem:s6+$0x980] =	vst v25  }
0x49: {  	vm11 =	vle.f32 v19, v9;
	v44 =	vsel vm0, $0x3F800000, v1;
	vm0 =	vmneg vm7;
	[tilespmem:s5+$0x2980] =	vst v43  }
0x4a: {  	vm12 =	vle.f32 v18, v9;
	vm7 =	vmor vm2, vm15;
	vm10 =	vmor vm0, vm9;
	[tilespmem:s5+$0x2A00] =	vst v44  }
0x4b: {  	vm0 =	vmand vm0, vm9;
	[tilespmem:s5+$0x2A80] =	vst v45;
	v51 =	vsel vm7, $0x0, v0;
	vm9 =	vmand vm2, vm15  }
0x4c: {  	[tilespmem:s5+$0x2B00] =	vst v46;
	v47 =	vsel vm10, $0x0, v0;
	v48 =	vsel vm0, $0x3F800000, v1;
	vm0 =	vmneg vm11  }
0x4d: {  	vm10 =	vle.f32 v18, v11;
	v52 =	vsel vm9, $0x3F800000, v1;
	[tilespmem:s5+$0x4980] =	vst v51;
	vm14 =	vmor vm0, vm12  }
0x4e: {  	vm0 =	vmand vm0, vm12;
	[tilespmem:s5+$0x2B80] =	vst v47;
	vm12 =	vle.f32 v19, v12;
	v49 =	vsel vm14, $0x0, v0  }
0x4f: {  	[tilespmem:s5+$0x2C00] =	vst v48;
	v50 =	vsel vm0, $0x3F800000, v1;
	vm0 =	vmneg vm8;
	vm14 =	vle.f32 v19, v13  }
0x50: {  	[tilespmem:s5+$0x4A00] =	vst v52;
	vm8 =	vle.f32 v18, v13;
	vm11 =	vmor vm0, vm10;
	vm0 =	vmand vm0, vm10  }
0x51: {  	[tilespmem:s5+$0x2C80] =	vst v49;
	vm2 =	vmneg vm14;
	vm10 =	vle.f32 v19, v14;
	vm14 =	vle.f32 v19, v15  }
0x52: {  	[tilespmem:s5+$0x2D00] =	vst v50;
	v53 =	vsel vm11, $0x0, v0;
	v54 =	vsel vm0, $0x3F800000, v1;
	vm0 =	vmneg vm12  }
0x53: {  	vm9 =	vmor vm2, vm8;
	vm11 =	vmand vm2, vm8;
	vm12 =	vle.f32 v18, v14;
	[tilespmem:s5+$0x4A80] =	vst v53  }
0x54: {  	vm8 =	vle.f32 v19, v16;
	vm15 =	vmor vm0, vm13;
	[tilespmem:s5+$0x4B00] =	vst v54;
	v57 =	vsel vm9, $0x0, v0  }
0x55: {  	vm0 =	vmand vm0, vm13;
	v58 =	vsel vm11, $0x3F800000, v1;
	vm2 =	vmneg vm8;
	[tilespmem:s5+$0x4C80] =	vst v57  }
0x56: {  	v55 =	vsel vm15, $0x0, v0;
	v56 =	vsel vm0, $0x3F800000, v1;
	vm0 =	vmneg vm10;
	[tilespmem:s5+$0x4D00] =	vst v58  }
0x57: {  	vm15 =	vle.f32 v18, v15;
	vm10 =	vle.f32 v18, v16;
	[tilespmem:s5+$0x4B80] =	vst v55;
	vm13 =	vmor vm0, vm12  }
0x58: {  	[tilespmem:s5+$0x4C00] =	vst v56;
	vm0 =	vmand vm0, vm12;
	vm11 =	vmor vm2, vm10;
	v59 =	vsel vm13, $0x0, v0  }
0x59: {  	vm12 =	vle.f32 v19, v17;
	v60 =	vsel vm0, $0x3F800000, v1;
	vm0 =	vmneg vm14;
	[tilespmem:s5+$0x6980] =	vst v59  }
0x5a: {  	v63 =	vsel vm11, $0x0, v0;
	vm13 =	vmand vm2, vm10;
	vm14 =	vle.f32 v18, v17;
	[tilespmem:s5+$0x6A00] =	vst v60  }
0x5b: {  	p1 =	sne.s32 s4, $0x3F0;
	vm9 =	vmor vm0, vm15;
	vm0 =	vmand vm0, vm15;
	[tilespmem:s5+$0x6B80] =	vst v63;
	v18 =	vsel vm13, $0x3F800000, v1  }
.Ltmp5:
0x5c: {  	v61 =	vsel vm9, $0x0, v0;
	v62 =	vsel vm0, $0x3F800000, v1;
	vm0 =	vmneg vm12;
	[tilespmem:s5+$0x6C00] =	vst v18;
	(pc) =	sbr.rel @p1 .LBB2_4-.Ltmp5, $4  }
0x5d: {  	[tilespmem:s5+$0x6A80] =	vst v61;
	vm15 =	vmor vm0, vm14  }
0x5e: {  	[tilespmem:s5+$0x6B00] =	vst v62;
	vm0 =	vmand vm0, vm14;
	v18 =	vsel vm15, $0x0, v0  }
0x5f: {  	[tilespmem:s5+$0x6C80] =	vst v18;
	v18 =	vsel vm0, $0x3F800000, v1  }
0x60: {  	s1 =	sadd.s32 $0x80, s1;
	s3 =	sadd.s32 $0x10, s3;
	s4 =	sadd.s32 $0x10, s4;
	[tilespmem:s5+$0x6D00] =	vst v18  }
0x61: {  	s1 =	sshll.u32 s2, $0xA  }
0x62: {  	s1 =	sand.u32 $0x1FFFFC00, s1  }
0x63: {  	s1 =	sadd.s32 s9, s1  }
0x64: {  	[hbm4b:s1+s23] =	stream.strided.scatter [tilespmem:s25], [sflag:$0x3], $0x8000, s24, s23, $0x38;
	[tilespmem:$0x13B00] =	vst v63  }
0x65: {  	s1 =	sadd.s32 $0x2, s2  }
0x66: {  	p1 =	sge.u32 s1, s15  }
0x67: {  	s1 =	sshll.u32 @!p1 s1, $0x7  }
0x68: {  	s1 =	sand.u32 @!p1 $0x1FFFFF80, s1  }
0x69: {  	s3 =	simm.s32 @!p1 $0x0;
	s4 =	simm.s32 @!p1 $0x80;
	s1 =	sadd.s32 @!p1 s8, s1  }
0x6a: {  	[tilespmem:s4], [sflag:$0x1] =	stream.linear.gather @!p1 [hbm4b:s1+s3], $0x410, $0x38;
	[tilespmem:$0x13B00] =	vst v63  }
.LBB2_6:
0x6b: {  	s1 =	sadd.s32 $0x1, s2  }
0x6c: {  	p1 =	sge.u32 s1, s15  }
.Ltmp6:
0x6d: {  	_ = 	snop;
	(pc) =	sbr.rel @p1 .LBB2_10-.Ltmp6, $1  }
0x6e: {  	_ =	sdelay $0x3  }
0x6f: {  	_ =	swait.ge [sflag:s26], $0x410  }
0x70: {  	p1 =	slt.u32 s1, s17;
	[sflag:s26] =	ssyncset.done $0x0  }
0x71: {  	s3 =	simm.s32 @!p1 $0x4;
	[sflag:s26] =	ssyncadd.s32 $0xFFFFFBF0  }
0x72: {  	_ =	swait.ge @!p1 [sflag:s3], $0x8000  }
0x73: {  	s4 =	simm.s32 $0x501;
	[sflag:s3] =	ssyncset.done @!p1 $0x0  }
0x74: {  	s5 =	simm.s32 $0x0;
	[sflag:s3] =	ssyncadd.s32 @!p1 $0xFFFF8000;
	s3 =	simm.s32 $0x0  }
.LBB2_8:
0x75: {  	v19 =	vld [tilespmem:s4+$0xFFFFFFFF]  }
0x76: {  	v18 =	vld [tilespmem:s4+$0x0];
	_ =	sdelay $0x4  }
0x77: {  	vm0 =	vle.f32 v19, v2;
	vm1 =	vle.f32 v18, v2;
	vm13 =	vle.f32 v19, v3  }
0x78: {  	vm14 =	vle.f32 v18, v3;
	vm15 =	vle.f32 v19, v4;
	vm4 =	vle.f32 v18, v4  }
0x79: {  	vm7 =	vle.f32 v19, v5;
	vm9 =	vle.f32 v18, v5;
	vm0 =	vmneg vm0  }
0x7a: {  	vm11 =	vle.f32 v19, v6;
	vm2 =	vmor vm0, vm1;
	vm0 =	vmand vm0, vm1  }
0x7b: {  	vm12 =	vle.f32 v18, v6;
	v20 =	vsel vm2, $0x0, v0;
	v21 =	vsel vm0, $0x3F800000, v1  }
0x7c: {  	vm0 =	vmneg vm13;
	vm2 =	vmneg vm15;
	vm13 =	vle.f32 v19, v7  }
0x7d: {  	s6 =	sand.u32 $0x70, s5;
	s7 =	sand.u32 $0x1C00, s3;
	vm15 =	vle.f32 v18, v7;
	vm3 =	vmor vm0, vm14;
	vm0 =	vmand vm0, vm14  }
0x7e: {  	s6 =	sor.u32 s6, s7;
	vm6 =	vmor vm2, vm4;
	vm8 =	vmand vm2, vm4;
	vm2 =	vmneg vm13  }
0x7f: {  	[tilespmem:s6+$0x8980] =	vst v20;
	vm13 =	vle.f32 v19, v10;
	v22 =	vsel vm3, $0x0, v0;
	v23 =	vsel vm0, $0x3F800000, v1  }
0x80: {  	[tilespmem:s6+$0x8A00] =	vst v21;
	v24 =	vsel vm6, $0x0, v0;
	vm0 =	vmneg vm7;
	v41 =	vsel vm8, $0x3F800000, v1  }
0x81: {  	vm6 =	vmor vm2, vm15;
	vm7 =	vle.f32 v19, v8;
	vm8 =	vmand vm2, vm15;
	[tilespmem:s6+$0x8A80] =	vst v22  }
0x82: {  	vm2 =	vmneg vm13;
	vm15 =	vle.f32 v18, v10;
	vm13 =	vle.f32 v18, v12;
	[tilespmem:s6+$0x8B00] =	vst v23  }
0x83: {  	vm10 =	vmor vm0, vm9;
	vm0 =	vmand vm0, vm9;
	[tilespmem:s6+$0x8B80] =	vst v24;
	v45 =	vsel vm6, $0x0, v0  }
0x84: {  	s7 =	sor.u32 s3, s5;
	[tilespmem:s6+$0x8C00] =	vst v41;
	v42 =	vsel vm10, $0x0, v0;
	v25 =	vsel vm0, $0x3F800000, v1;
	vm0 =	vmneg vm11  }
0x85: {  	s7 =	sor.u32 $0x380, s7;
	vm9 =	vle.f32 v18, v8;
	v46 =	vsel vm8, $0x3F800000, v1;
	vm14 =	vmor vm0, vm12;
	[tilespmem:s6+$0x8C80] =	vst v42  }
0x86: {  	vm8 =	vle.f32 v19, v11;
	vm0 =	vmand vm0, vm12;
	v43 =	vsel vm14, $0x0, v0;
	[tilespmem:s7+$0x8980] =	vst v25  }
0x87: {  	vm11 =	vle.f32 v19, v9;
	v44 =	vsel vm0, $0x3F800000, v1;
	vm0 =	vmneg vm7;
	[tilespmem:s6+$0xA980] =	vst v43  }
0x88: {  	vm12 =	vle.f32 v18, v9;
	vm7 =	vmor vm2, vm15;
	vm10 =	vmor vm0, vm9;
	[tilespmem:s6+$0xAA00] =	vst v44  }
0x89: {  	vm0 =	vmand vm0, vm9;
	[tilespmem:s6+$0xAA80] =	vst v45;
	v51 =	vsel vm7, $0x0, v0;
	vm9 =	vmand vm2, vm15  }
0x8a: {  	[tilespmem:s6+$0xAB00] =	vst v46;
	v47 =	vsel vm10, $0x0, v0;
	v48 =	vsel vm0, $0x3F800000, v1;
	vm0 =	vmneg vm11  }
0x8b: {  	vm10 =	vle.f32 v18, v11;
	v52 =	vsel vm9, $0x3F800000, v1;
	[tilespmem:s6+$0xC980] =	vst v51;
	vm14 =	vmor vm0, vm12  }
0x8c: {  	vm0 =	vmand vm0, vm12;
	[tilespmem:s6+$0xAB80] =	vst v47;
	vm12 =	vle.f32 v19, v12;
	v49 =	vsel vm14, $0x0, v0  }
0x8d: {  	[tilespmem:s6+$0xAC00] =	vst v48;
	v50 =	vsel vm0, $0x3F800000, v1;
	vm0 =	vmneg vm8;
	vm14 =	vle.f32 v19, v13  }
0x8e: {  	[tilespmem:s6+$0xCA00] =	vst v52;
	vm8 =	vle.f32 v18, v13;
	vm11 =	vmor vm0, vm10;
	vm0 =	vmand vm0, vm10  }
0x8f: {  	[tilespmem:s6+$0xAC80] =	vst v49;
	vm2 =	vmneg vm14;
	vm10 =	vle.f32 v19, v14;
	vm14 =	vle.f32 v19, v15  }
0x90: {  	[tilespmem:s6+$0xAD00] =	vst v50;
	v53 =	vsel vm11, $0x0, v0;
	v54 =	vsel vm0, $0x3F800000, v1;
	vm0 =	vmneg vm12  }
0x91: {  	vm9 =	vmor vm2, vm8;
	vm11 =	vmand vm2, vm8;
	vm12 =	vle.f32 v18, v14;
	[tilespmem:s6+$0xCA80] =	vst v53  }
0x92: {  	vm8 =	vle.f32 v19, v16;
	vm15 =	vmor vm0, vm13;
	[tilespmem:s6+$0xCB00] =	vst v54;
	v57 =	vsel vm9, $0x0, v0  }
0x93: {  	vm0 =	vmand vm0, vm13;
	v58 =	vsel vm11, $0x3F800000, v1;
	vm2 =	vmneg vm8;
	[tilespmem:s6+$0xCC80] =	vst v57  }
0x94: {  	v55 =	vsel vm15, $0x0, v0;
	v56 =	vsel vm0, $0x3F800000, v1;
	vm0 =	vmneg vm10;
	[tilespmem:s6+$0xCD00] =	vst v58  }
0x95: {  	vm15 =	vle.f32 v18, v15;
	vm10 =	vle.f32 v18, v16;
	[tilespmem:s6+$0xCB80] =	vst v55;
	vm13 =	vmor vm0, vm12  }
0x96: {  	[tilespmem:s6+$0xCC00] =	vst v56;
	vm0 =	vmand vm0, vm12;
	vm11 =	vmor vm2, vm10;
	v59 =	vsel vm13, $0x0, v0  }
0x97: {  	vm12 =	vle.f32 v19, v17;
	v60 =	vsel vm0, $0x3F800000, v1;
	vm0 =	vmneg vm14;
	[tilespmem:s6+$0xE980] =	vst v59  }
0x98: {  	v63 =	vsel vm11, $0x0, v0;
	vm13 =	vmand vm2, vm10;
	vm14 =	vle.f32 v18, v17;
	[tilespmem:s6+$0xEA00] =	vst v60  }
0x99: {  	p1 =	sne.s32 s5, $0x3F0;
	vm9 =	vmor vm0, vm15;
	vm0 =	vmand vm0, vm15;
	[tilespmem:s6+$0xEB80] =	vst v63;
	v18 =	vsel vm13, $0x3F800000, v1  }
.Ltmp7:
0x9a: {  	v61 =	vsel vm9, $0x0, v0;
	v62 =	vsel vm0, $0x3F800000, v1;
	vm0 =	vmneg vm12;
	[tilespmem:s6+$0xEC00] =	vst v18;
	(pc) =	sbr.rel @p1 .LBB2_8-.Ltmp7, $4  }
0x9b: {  	[tilespmem:s6+$0xEA80] =	vst v61;
	vm15 =	vmor vm0, vm14  }
0x9c: {  	[tilespmem:s6+$0xEB00] =	vst v62;
	vm0 =	vmand vm0, vm14;
	v18 =	vsel vm15, $0x0, v0  }
0x9d: {  	[tilespmem:s6+$0xEC80] =	vst v18;
	v18 =	vsel vm0, $0x3F800000, v1  }
0x9e: {  	s4 =	sadd.s32 $0x10, s4;
	s3 =	sadd.s32 $0x80, s3;
	s5 =	sadd.s32 $0x10, s5;
	[tilespmem:s6+$0xED00] =	vst v18  }
0x9f: {  	s1 =	sshll.u32 s1, $0xA  }
0xa0: {  	s1 =	sand.u32 $0x1FFFFC00, s1  }
0xa1: {  	s1 =	sadd.s32 s9, s1  }
0xa2: {  	[hbm4b:s1+s23] =	stream.strided.scatter [tilespmem:s28], [sflag:$0x4], $0x8000, s24, s23, $0x38;
	[tilespmem:$0x13B00] =	vst v63  }
0xa3: {  	s1 =	sadd.s32 $0x3, s2  }
.Ltmp8:
0xa4: {  	p1 =	sge.u32 s1, s15;
	(pc) =	sbr.rel .LBB2_10-.Ltmp8, $4  }
0xa5: {  	s1 =	sshll.u32 @!p1 s1, $0x7  }
0xa6: {  	s1 =	sand.u32 @!p1 $0x1FFFFF80, s1  }
0xa7: {  	s2 =	simm.s32 @!p1 $0x0;
	s3 =	simm.s32 @!p1 $0x500;
	s1 =	sadd.s32 @!p1 s8, s1  }
0xa8: {  	[tilespmem:s3], [sflag:$0x2] =	stream.linear.gather @!p1 [hbm4b:s1+s2], $0x410, $0x38;
	[tilespmem:$0x13B00] =	vst v63  }
.LBB2_11:
.Ltmp9:
0xa9: {  	(pc) =	sbr.rel @p0 .LBB2_15-.Ltmp9, $1  }
0xaa: {  	_ =	sdelay $0x3  }
0xab: {  	[dreg:$0xe] =	wrdreg s31  }
0xac: {  	s25 =	simm.s32 $0x0;
	s31 =	simm.s32 $0x10980;
	s0 =	rddreg [dreg:$0xb]  }
0xad: {  	[tilespmem:s31], [sflag:$0x5] =	stream.linear.gather [hbm4b:s0+s25], $0x120, $0x38;
	[tilespmem:$0x13B00] =	vst v63  }
0xae: {  	_ =	swait.ge [sflag:s19], $0x120  }
0xaf: {  	[sflag:s19] =	ssyncset.done $0x0  }
0xb0: {  	[sflag:s19] =	ssyncadd.s32 $0xFFFFFEE0  }
0xb1: {  	v18 =	vld [tilespmem:$0x10A90];
	_ =	sdelay $0x4  }
0xb2: {  	v18 =	vbroadcast v18, $0xF;
	_ =	sdelay $0x1  }
0xb3: {  	s2 =	simm.s32 $0x0;
	s0 =	simm.s32 $0x0;
	[tilespmem:$0x10AA0] =	vst v18  }
.LBB2_13:
0xb4: {  	v19 =	vld [tilespmem:s31+$0x0]  }
0xb5: {  	v18 =	vld [tilespmem:s31+$0x1];
	_ =	sdelay $0x4  }
0xb6: {  	vm0 =	vle.f32 v19, v2;
	vm1 =	vle.f32 v18, v2  }
0xb7: {  	vm13 =	vle.f32 v19, v3;
	vm14 =	vle.f32 v18, v3;
	vm15 =	vle.f32 v19, v4  }
0xb8: {  	vm4 =	vle.f32 v18, v4;
	vm7 =	vle.f32 v19, v5;
	vm0 =	vmneg vm0  }
0xb9: {  	vm9 =	vle.f32 v18, v5;
	vm11 =	vle.f32 v19, v6;
	vm2 =	vmor vm0, vm1  }
0xba: {  	vm12 =	vle.f32 v18, v6;
	vm0 =	vmand vm0, vm1;
	v20 =	vsel vm2, $0x0, v0  }
0xbb: {  	s6 =	sand.u32 $0xC00, s2;
	v21 =	vsel vm0, $0x3F800000, v1;
	vm0 =	vmneg vm13;
	vm2 =	vmneg vm15  }
0xbc: {  	s18 =	sand.u32 $0x60, s0;
	s1 =	sadd.s32 $0x10B00, s6;
	vm13 =	vle.f32 v19, v7;
	vm15 =	vle.f32 v18, v7;
	vm3 =	vmor vm0, vm14  }
0xbd: {  	[dreg:$0xf] =	wrdreg s1;
	s1 =	sor.u32 s18, s1;
	vm0 =	vmand vm0, vm14;
	vm6 =	vmor vm2, vm4;
	vm8 =	vmand vm2, vm4  }
0xbe: {  	[tilespmem:s1+$0x0] =	vst v20;
	vm2 =	vmneg vm13;
	vm13 =	vle.f32 v19, v10;
	v22 =	vsel vm3, $0x0, v0  }
0xbf: {  	[tilespmem:s1+$0x80] =	vst v21;
	v23 =	vsel vm0, $0x3F800000, v1;
	v24 =	vsel vm6, $0x0, v0;
	vm0 =	vmneg vm7  }
0xc0: {  	s3 =	sand.u32 $0x3, s25;
	v52 =	vsel vm8, $0x3F800000, v1;
	vm6 =	vmor vm2, vm15;
	vm7 =	vle.f32 v19, v8;
	[tilespmem:s1+$0x100] =	vst v22  }
0xc1: {  	s3 =	sshll.u32 s3, $0x5;
	vm8 =	vmand vm2, vm15;
	vm2 =	vmneg vm13;
	vm15 =	vle.f32 v18, v10;
	[tilespmem:s1+$0x180] =	vst v23  }
0xc2: {  	s12 =	sadd.s32 s3, s2;
	vm10 =	vmor vm0, vm9;
	vm0 =	vmand vm0, vm9;
	[tilespmem:s1+$0x200] =	vst v24;
	v56 =	vsel vm6, $0x0, v0  }
0xc3: {  	s16 =	sor.u32 s2, s0;
	s15 =	sor.u32 $0x300, s12;
	[tilespmem:s1+$0x280] =	vst v52;
	v53 =	vsel vm10, $0x0, v0;
	v25 =	vsel vm0, $0x3F800000, v1;
	vm0 =	vmneg vm11  }
0xc4: {  	s17 =	sor.u32 $0x380, s16;
	s19 =	sadd.s32 $0x11700, s6;
	vm9 =	vle.f32 v18, v8;
	v57 =	vsel vm8, $0x3F800000, v1;
	vm14 =	vmor vm0, vm12;
	[tilespmem:s15+$0x10B00] =	vst v53  }
0xc5: {  	s16 =	sadd.s32 $0x11780, s6;
	s20 =	sor.u32 s18, s19;
	vm5 =	vmor vm2, vm15;
	vm0 =	vmand vm0, vm12;
	v54 =	vsel vm14, $0x0, v0;
	[tilespmem:s17+$0x10B00] =	vst v25  }
0xc6: {  	s21 =	sor.u32 s18, s16;
	vm6 =	vle.f32 v19, v11;
	vm8 =	vle.f32 v18, v11;
	v55 =	vsel vm0, $0x3F800000, v1;
	s17 =	sadd.s32 $0x11800, s6;
	[tilespmem:s20+$0x0] =	vst v54  }
0xc7: {  	s13 =	sadd.s32 $0x11880, s6;
	vm11 =	vle.f32 v19, v9;
	v62 =	vsel vm5, $0x0, v0;
	vm0 =	vmneg vm7;
	s22 =	sor.u32 s18, s17;
	[tilespmem:s21+$0x0] =	vst v55  }
0xc8: {  	s5 =	sadd.s32 $0x11900, s6;
	s23 =	sor.u32 s18, s13;
	vm12 =	vle.f32 v18, v9;
	vm10 =	vmor vm0, vm9;
	vm0 =	vmand vm0, vm9;
	[tilespmem:s22+$0x0] =	vst v56  }
0xc9: {  	s10 =	sadd.s32 $0x11980, s6;
	s24 =	sor.u32 s18, s5;
	v58 =	vsel vm10, $0x0, v0;
	v59 =	vsel vm0, $0x3F800000, v1;
	vm0 =	vmneg vm11;
	[tilespmem:s23+$0x0] =	vst v57  }
0xca: {  	s14 =	sadd.s32 $0x11A00, s6;
	s26 =	sor.u32 s18, s10;
	vm5 =	vle.f32 v19, v14;
	vm7 =	vmand vm2, vm15;
	vm14 =	vmor vm0, vm12;
	[tilespmem:s24+$0x0] =	vst v58  }
0xcb: {  	s8 =	sadd.s32 $0x11A80, s6;
	s28 =	sor.u32 s18, s14;
	v63 =	vsel vm7, $0x3F800000, v1;
	vm0 =	vmand vm0, vm12;
	v60 =	vsel vm14, $0x0, v0;
	[tilespmem:s26+$0x0] =	vst v59  }
0xcc: {  	s4 =	sor.u32 $0x12300, s6;
	s29 =	sor.u32 s18, s8;
	vm10 =	vle.f32 v19, v12;
	vm12 =	vle.f32 v19, v13;
	v61 =	vsel vm0, $0x3F800000, v1;
	[tilespmem:s28+$0x0] =	vst v60  }
0xcd: {  	s30 =	sor.u32 s18, s4;
	vm11 =	vle.f32 v18, v12;
	vm0 =	vmneg vm6;
	vm2 =	vmneg vm12;
	s26 =	sor.u32 $0x12380, s6;
	[tilespmem:s29+$0x0] =	vst v61  }
0xce: {  	vm14 =	vle.f32 v18, v13;
	vm9 =	vmor vm0, vm8;
	vm0 =	vmand vm0, vm8;
	s3 =	sor.u32 s18, s26;
	s28 =	sadd.s32 $0x12400, s6;
	[tilespmem:s30+$0x0] =	vst v62  }
0xcf: {  	s15 =	sadd.s32 $0x12480, s6;
	v24 =	vsel vm9, $0x0, v0;
	v25 =	vsel vm0, $0x3F800000, v1;
	vm0 =	vmneg vm10;
	s7 =	sor.u32 s18, s28;
	[tilespmem:s3+$0x0] =	vst v63  }
0xd0: {  	s9 =	sor.u32 s18, s15;
	vm7 =	vle.f32 v18, v14;
	vm15 =	vmor vm2, vm14;
	vm13 =	vmor vm0, vm11;
	s29 =	sadd.s32 $0x12500, s6;
	[tilespmem:s7+$0x0] =	vst v24  }
0xd1: {  	s21 =	sadd.s32 $0x12580, s6;
	vm6 =	vmand vm2, vm14;
	vm0 =	vmand vm0, vm11;
	v26 =	vsel vm13, $0x0, v0;
	s11 =	sor.u32 s18, s29;
	[tilespmem:s9+$0x0] =	vst v25  }
0xd2: {  	[dreg:$0x10] =	wrdreg s19;
	s19 =	sor.u32 s18, s21;
	s23 =	sadd.s32 $0x12600, s6;
	v28 =	vsel vm15, $0x0, v0;
	v29 =	vsel vm6, $0x3F800000, v1;
	v27 =	vsel vm0, $0x3F800000, v1;
	[tilespmem:s11+$0x0] =	vst v26  }
0xd3: {  	s1 =	sadd.s32 $0x12680, s6;
	s20 =	sor.u32 s18, s23;
	vm9 =	vle.f32 v19, v15;
	vm10 =	vle.f32 v18, v15;
	vm0 =	vmneg vm5;
	[tilespmem:s19+$0x0] =	vst v27  }
0xd4: {  	vm11 =	vle.f32 v19, v16;
	vm8 =	vmor vm0, vm7;
	vm0 =	vmand vm0, vm7;
	s3 =	sadd.s32 $0x12F00, s6;
	s7 =	sor.u32 s18, s1;
	[tilespmem:s20+$0x0] =	vst v28  }
0xd5: {  	v30 =	vsel vm8, $0x0, v0;
	v31 =	vsel vm0, $0x3F800000, v1;
	vm0 =	vmneg vm9;
	s22 =	sor.u32 s18, s3;
	s11 =	sadd.s32 $0x12F80, s6;
	[tilespmem:s7+$0x0] =	vst v29  }
0xd6: {  	vm15 =	vle.f32 v19, v17;
	vm2 =	vmneg vm11;
	vm12 =	vmor vm0, vm10;
	s24 =	sor.u32 s18, s11;
	s19 =	sor.u32 $0x13000, s6;
	[tilespmem:s22+$0x0] =	vst v30  }
0xd7: {  	vm13 =	vle.f32 v18, v16;
	vm0 =	vmand vm0, vm10;
	v32 =	vsel vm12, $0x0, v0;
	s30 =	sor.u32 s18, s19;
	s20 =	sor.u32 $0x13080, s6;
	[tilespmem:s24+$0x0] =	vst v31  }
0xd8: {  	vm6 =	vle.f32 v18, v17;
	vm14 =	vmor vm2, vm13;
	v33 =	vsel vm0, $0x3F800000, v1;
	s9 =	sor.u32 s18, s20;
	s22 =	sor.u32 $0x13100, s6;
	[tilespmem:s30+$0x0] =	vst v32  }
0xd9: {  	vm5 =	vmand vm2, vm13;
	v34 =	vsel vm14, $0x0, v0;
	vm0 =	vmneg vm15;
	s7 =	sor.u32 $0x13180, s6;
	[tilespmem:s9+$0x0] =	vst v33;
	s9 =	sor.u32 s18, s22  }
0xda: {  	v18 =	vsel vm5, $0x3F800000, v1;
	vm7 =	vmor vm0, vm6;
	s30 =	sor.u32 s18, s7;
	[tilespmem:s9+$0x0] =	vst v34;
	s9 =	sor.u32 $0x13200, s6  }
0xdb: {  	vm0 =	vmand vm0, vm6;
	s6 =	sor.u32 $0x13280, s6;
	[tilespmem:s30+$0x0] =	vst v18;
	v18 =	vsel vm7, $0x0, v0;
	s24 =	sor.u32 s18, s9  }
0xdc: {  	s30 =	sor.u32 s18, s6;
	s18 =	sor.u32 $0x10, s18;
	[tilespmem:s24+$0x0] =	vst v18;
	v18 =	vsel vm0, $0x3F800000, v1;
	s24 =	sand.u32 $0x180, s0  }
0xdd: {  	[tilespmem:s30+$0x0] =	vst v18;
	s24 =	sor.u32 s18, s24  }
0xde: {  	v19 =	vld [tilespmem:s24+$0x10980]  }
0xdf: {  	v18 =	vld [tilespmem:s31+$0x11];
	_ =	sdelay $0x4  }
0xe0: {  	vm8 =	vle.f32 v19, v2;
	vm9 =	vle.f32 v18, v2  }
0xe1: {  	vm11 =	vle.f32 v19, v3;
	vm12 =	vle.f32 v18, v3;
	vm13 =	vle.f32 v19, v4  }
0xe2: {  	vm15 =	vle.f32 v18, v4;
	vm7 =	vle.f32 v19, v5;
	vm0 =	vmneg vm8  }
0xe3: {  	vm2 =	vmneg vm13;
	vm13 =	vle.f32 v19, v7;
	vm10 =	vmor vm0, vm9  }
0xe4: {  	vm0 =	vmand vm0, vm9;
	vm6 =	vmor vm2, vm15;
	vm8 =	vmand vm2, vm15  }
0xe5: {  	vm9 =	vle.f32 v18, v5;
	vm2 =	vmneg vm13;
	vm15 =	vle.f32 v18, v7  }
0xe6: {  	s30 =	rddreg [dreg:$0xf];
	vm13 =	vle.f32 v19, v10;
	v35 =	vsel vm10, $0x0, v0;
	v36 =	vsel vm0, $0x3F800000, v1  }
0xe7: {  	s24 =	sor.u32 s18, s30;
	vm0 =	vmneg vm11;
	v39 =	vsel vm6, $0x0, v0;
	v40 =	vsel vm8, $0x3F800000, v1  }
0xe8: {  	vm11 =	vle.f32 v19, v6;
	vm6 =	vmor vm2, vm15;
	vm8 =	vmand vm2, vm15;
	[tilespmem:s24+$0x0] =	vst v35  }
0xe9: {  	vm2 =	vmneg vm13;
	vm15 =	vle.f32 v18, v10;
	vm13 =	vle.f32 v18, v12;
	[tilespmem:s24+$0x80] =	vst v36  }
0xea: {  	vm14 =	vmor vm0, vm12;
	vm0 =	vmand vm0, vm12;
	vm12 =	vle.f32 v18, v6;
	[tilespmem:s24+$0x200] =	vst v39  }
0xeb: {  	[tilespmem:s24+$0x280] =	vst v40;
	v37 =	vsel vm14, $0x0, v0;
	v38 =	vsel vm0, $0x3F800000, v1;
	vm0 =	vmneg vm7  }
0xec: {  	s12 =	sadd.s32 $0x10, s12;
	v45 =	vsel vm6, $0x0, v0;
	vm10 =	vmor vm0, vm9;
	vm0 =	vmand vm0, vm9;
	[tilespmem:s24+$0x100] =	vst v37  }
0xed: {  	s30 =	sor.u32 $0x300, s12;
	[tilespmem:s24+$0x180] =	vst v38;
	v41 =	vsel vm10, $0x0, v0;
	v42 =	vsel vm0, $0x3F800000, v1;
	vm0 =	vmneg vm11  }
0xee: {  	s12 =	sor.u32 $0x380, s12;
	v46 =	vsel vm8, $0x3F800000, v1;
	vm8 =	vle.f32 v19, v11;
	s24 =	rddreg [dreg:$0x10];
	vm14 =	vmor vm0, vm12;
	[tilespmem:s30+$0x10B00] =	vst v41  }
0xef: {  	vm7 =	vle.f32 v19, v8;
	vm0 =	vmand vm0, vm12;
	v43 =	vsel vm14, $0x0, v0;
	[tilespmem:s12+$0x10B00] =	vst v42;
	s12 =	sor.u32 s18, s24  }
0xf0: {  	vm9 =	vle.f32 v18, v8;
	vm11 =	vle.f32 v19, v9;
	s30 =	sor.u32 s18, s16;
	v44 =	vsel vm0, $0x3F800000, v1;
	[tilespmem:s12+$0x0] =	vst v43  }
0xf1: {  	s16 =	sor.u32 s18, s17;
	vm12 =	vle.f32 v18, v9;
	vm0 =	vmneg vm7;
	vm7 =	vmor vm2, vm15;
	[tilespmem:s30+$0x0] =	vst v44  }
0xf2: {  	s17 =	sor.u32 s18, s13;
	vm10 =	vmor vm0, vm9;
	vm0 =	vmand vm0, vm9;
	v51 =	vsel vm7, $0x0, v0;
	[tilespmem:s16+$0x0] =	vst v45  }
0xf3: {  	s5 =	sor.u32 s18, s5;
	v47 =	vsel vm10, $0x0, v0;
	v48 =	vsel vm0, $0x3F800000, v1;
	vm0 =	vmneg vm11;
	[tilespmem:s17+$0x0] =	vst v46  }
0xf4: {  	s24 =	sor.u32 s18, s10;
	vm9 =	vmand vm2, vm15;
	vm10 =	vle.f32 v18, v11;
	vm14 =	vmor vm0, vm12;
	[tilespmem:s5+$0x0] =	vst v47  }
0xf5: {  	s30 =	sor.u32 s18, s14;
	v52 =	vsel vm9, $0x3F800000, v1;
	vm0 =	vmand vm0, vm12;
	v49 =	vsel vm14, $0x0, v0;
	[tilespmem:s24+$0x0] =	vst v48  }
0xf6: {  	s8 =	sor.u32 s18, s8;
	vm12 =	vle.f32 v19, v12;
	v50 =	vsel vm0, $0x3F800000, v1;
	vm0 =	vmneg vm8;
	[tilespmem:s30+$0x0] =	vst v49  }
0xf7: {  	s4 =	sor.u32 s18, s4;
	vm14 =	vle.f32 v19, v13;
	vm8 =	vle.f32 v18, v13;
	vm11 =	vmor vm0, vm10;
	[tilespmem:s8+$0x0] =	vst v50  }
0xf8: {  	s10 =	sor.u32 s18, s26;
	vm0 =	vmand vm0, vm10;
	vm2 =	vmneg vm14;
	vm10 =	vle.f32 v19, v14;
	[tilespmem:s4+$0x0] =	vst v51  }
0xf9: {  	s12 =	sor.u32 s18, s28;
	v53 =	vsel vm11, $0x0, v0;
	v54 =	vsel vm0, $0x3F800000, v1;
	vm0 =	vmneg vm12;
	[tilespmem:s10+$0x0] =	vst v52  }
0xfa: {  	s13 =	sor.u32 s18, s15;
	vm14 =	vle.f32 v19, v15;
	vm9 =	vmor vm2, vm8;
	vm15 =	vmor vm0, vm13;
	[tilespmem:s12+$0x0] =	vst v53  }
0xfb: {  	s14 =	sor.u32 s18, s29;
	vm11 =	vmand vm2, vm8;
	vm0 =	vmand vm0, vm13;
	v55 =	vsel vm15, $0x0, v0;
	[tilespmem:s13+$0x0] =	vst v54  }
0xfc: {  	s15 =	sor.u32 s18, s21;
	vm12 =	vle.f32 v18, v14;
	vm8 =	vle.f32 v19, v16;
	v56 =	vsel vm0, $0x3F800000, v1;
	[tilespmem:s14+$0x0] =	vst v55  }
0xfd: {  	s16 =	sor.u32 s18, s23;
	v57 =	vsel vm9, $0x0, v0;
	v58 =	vsel vm11, $0x3F800000, v1;
	vm0 =	vmneg vm10;
	[tilespmem:s15+$0x0] =	vst v56  }
0xfe: {  	s1 =	sor.u32 s18, s1;
	vm15 =	vle.f32 v18, v15;
	vm13 =	vmor vm0, vm12;
	vm0 =	vmand vm0, vm12;
	[tilespmem:s16+$0x0] =	vst v57  }
0xff: {  	s17 =	sor.u32 s18, s3;
	v59 =	vsel vm13, $0x0, v0;
	v60 =	vsel vm0, $0x3F800000, v1;
	vm0 =	vmneg vm14;
	[tilespmem:s1+$0x0] =	vst v58  }
0x100: {  	s21 =	sor.u32 s18, s11;
	vm2 =	vmneg vm8;
	vm10 =	vle.f32 v18, v16;
	vm9 =	vmor vm0, vm15;
	[tilespmem:s17+$0x0] =	vst v59  }
0x101: {  	s23 =	sor.u32 s18, s19;
	vm11 =	vmor vm2, vm10;
	vm0 =	vmand vm0, vm15;
	v61 =	vsel vm9, $0x0, v0;
	[tilespmem:s21+$0x0] =	vst v60  }
0x102: {  	p1 =	sne.s32 s0, $0x100;
	s24 =	sor.u32 s18, s20;
	vm12 =	vle.f32 v19, v17;
	v63 =	vsel vm11, $0x0, v0;
	v62 =	vsel vm0, $0x3F800000, v1;
	[tilespmem:s23+$0x0] =	vst v61  }
.Ltmp10:
0x103: {  	s26 =	sor.u32 s18, s22;
	vm13 =	vmand vm2, vm10;
	vm14 =	vle.f32 v18, v17;
	vm0 =	vmneg vm12;
	[tilespmem:s24+$0x0] =	vst v62;
	(pc) =	sbr.rel @p1 .LBB2_13-.Ltmp10, $4  }
0x104: {  	s28 =	sor.u32 s18, s7;
	v18 =	vsel vm13, $0x3F800000, v1;
	vm15 =	vmor vm0, vm14;
	[tilespmem:s26+$0x0] =	vst v63  }
0x105: {  	s29 =	sor.u32 s18, s9;
	vm0 =	vmand vm0, vm14;
	[tilespmem:s28+$0x0] =	vst v18;
	v18 =	vsel vm15, $0x0, v0  }
0x106: {  	s25 =	sadd.s32 $0x1, s25;
	s30 =	sor.u32 s18, s6;
	[tilespmem:s29+$0x0] =	vst v18;
	v18 =	vsel vm0, $0x3F800000, v1  }
0x107: {  	s2 =	sadd.s32 $0x100, s2;
	s0 =	sadd.s32 $0x20, s0;
	s31 =	sadd.s32 $0x20, s31;
	[tilespmem:s30+$0x0] =	vst v18  }
0x108: {  	s0 =	rddreg [dreg:$0xc];
	s24 =	simm.s32 $0x3D0C00  }
0x109: {  	s1 =	simm.s32 $0xC00;
	s2 =	simm.s32 $0x10B00;
	s19 =	simm.s32 $0x5  }
0x10a: {  	[hbm4b:s0+s1] =	stream.strided.scatter [tilespmem:s2], [sflag:$0x5], $0x3000, s24, s1, $0x38;
	[tilespmem:$0x13B00] =	vst v63  }
0x10b: {  	_ =	swait.ge [sflag:s19], $0x3000  }
0x10c: {  	s11 =	rddreg [dreg:$0x4]  }
0x10d: {  	s12 =	rddreg [dreg:$0x5]  }
0x10e: {  	s13 =	rddreg [dreg:$0x6]  }
0x10f: {  	s14 =	rddreg [dreg:$0x7]  }
0x110: {  	s10 =	simm.s32 $0x0;
	s15 =	rddreg [dreg:$0x8]  }
0x111: {  	s20 =	simm.s32 $0x80;
	s21 =	simm.s32 $0x500;
	s16 =	rddreg [dreg:$0x9]  }
.Ltmp11:
0x112: {  	s22 =	simm.s32 $0x1;
	s17 =	rddreg [dreg:$0xa];
	(pc) =	sbr.rel .LBB2_15-.Ltmp11, $4  }
0x113: {  	s23 =	simm.s32 $0x2000;
	[sflag:s19] =	ssyncset.done $0x0;
	s18 =	rddreg [dreg:$0xd]  }
0x114: {  	s25 =	simm.s32 $0x980;
	s31 =	rddreg [dreg:$0xe];
	[sflag:s19] =	ssyncadd.s32 $0xFFFFD000  }
0x115: {  	s26 =	simm.s32 $0x2;
	s28 =	simm.s32 $0x8980;
	s8 =	rddreg [dreg:$0x0]  }
0x116: {  	s29 =	simm.s32 $0x3;
	s30 =	simm.s32 $0x4;
	s9 =	rddreg [dreg:$0x2]  }
.LBB2_16:
0x117: {  	_ =	sfence.sel $0x180000  }
0x118: {  	[bflag:$0x0] =	sbarrier.arrive $0xFFFF  }
0x119: {  	_ =	strace $0x90000047  }
0x11a: {  	s0 =	stileid.u32;
	[bflag:$0x2] =	sbarrier.arrive $0xFFFF  }
0x11b: {  	p0 =	sne.s32 s0, $0x0;
	s0 =	rddreg [dreg:$0x3]  }
0x11c: {  	s0 =	sadd.s32 @!p0 $0x100000, s0  }
0x11d: {  	[sflag:s0] =	ssyncadd.tile.s32 @!p0 $0x1;
	_ =	shalt  }
.Lfunc_end2:
_tile_overlayer_lowered:
.L_overlay_start_2:
0x11e: {  	(tag) =	ssettag $0x2  }
0x11f: {  	s0 =	rddreg [dreg:$0x0];
	s2 =	stileid.u32  }
0x120: {  	s1 =	rddreg [dreg:$0x1];
	p0 =	sne.s32 s2, $0x0  }
0x121: {  	s3 =	rddreg [dreg:$0x2];
	[bflag:$0x3] =	sbarrier.arrive $0xFFFF;
	s2 =	simm.s32 @!p0 $0x1C05  }
0x122: {  	[timem:s3], [sflag:s2] =	dma.local @!p0 [hbm:s0], s1  }
0x123: {  	s0 =	simm.s32 @!p0 $0x5  }
0x124: {  	_ =	swait.ge @!p0 [sflag:s0], s1  }
0x125: {  	s1 =	ssub.s32 @!p0 $0x0, s1;
	[sflag:s0] =	ssyncset.done @!p0 $0x0  }
0x126: {  	[sflag:s0] =	ssyncadd.s32 @!p0 s1  }
0x127: {  	[bflag:$0x3] =	sbarrier.arrive $0xFFFF  }
0x128: {  	_ =	shalt  }

</sc_bundles>
